<compile_context>
chip_gen: v7x
topology: tpu7x:2x2x1
jax: 0.10.2.dev20260603
libtpu: 0.0.44.dev20260713+nightly
codegen_flags: <defaults>
</compile_context>

<pallas_src>
import jax
import jax.numpy as jnp
from jax import lax
from jax.experimental import pallas as pl
from jax.experimental.pallas import tpu as pltpu
from jax.experimental.pallas import tpu_sc as plsc

_N = 10000
_E = 320000
_D = 128
_F = 64

_NC = 2
_NS = 16
_NW = _NC * _NS
_CHUNK = 128
_NCHUNK = _E // _CHUNK
_CBASE = _NCHUNK // _NW
_CREM = _NCHUNK % _NW
_CMAX = _CBASE + 1
_NPAD = 10240
_RPT = _NPAD // _NS
_NBUF = 4

_mesh = plsc.VectorSubcoreMesh(core_axis_name="c", subcore_axis_name="s")
_sc_params = pltpu.CompilerParams(use_tc_tiling_on_sc=False)


def _my_chunks(wid):
    lo = _NW - _CREM
    base = _CBASE * wid + jnp.maximum(wid - lo, 0)
    n = _CBASE + jnp.where(wid >= lo, 1, 0)
    return base, n


def _deg_body(edges_hbm, deg_out, dst_v, ones_v, zb_v, deg_sh, sem):
    c = lax.axis_index("c")
    s = lax.axis_index("s")
    wid = c * _NS + s
    base, n = _my_chunks(wid)
    cp = pltpu.async_copy(edges_hbm.at[1, pl.ds(base, _CMAX), :], dst_v, sem)
    for i in range(_CHUNK // 16):
        ones_v[pl.ds(i * 16, 16)] = jnp.ones((16,), jnp.float32)

    def zfill(i, carry):
        zb_v[pl.ds(i * 16, 16)] = jnp.zeros((16,), jnp.float32)
        return carry

    lax.fori_loop(0, _RPT // 16, zfill, 0)
    pltpu.sync_copy(zb_v, deg_sh.at[pl.ds(s * _RPT, _RPT)])
    cp.wait()
    plsc.subcore_barrier()

    def body(j, carry):
        pltpu.sync_copy(ones_v, deg_sh.at[dst_v.at[j]], add=True)
        return carry

    lax.fori_loop(0, n, body, 0)
    plsc.subcore_barrier()
    pltpu.sync_copy(deg_sh.at[pl.ds(s * _RPT, _RPT)], zb_v)
    pltpu.sync_copy(zb_v, deg_out.at[pl.ds(c * _NPAD + s * _RPT, _RPT)])


_deg_kernel = pl.kernel(
    _deg_body,
    out_type=jax.ShapeDtypeStruct((_NC * _NPAD,), jnp.float32),
    mesh=_mesh,
    compiler_params=_sc_params,
    scratch_types=[
        pltpu.VMEM((_CMAX, _CHUNK), jnp.int32),
        pltpu.VMEM((_CHUNK,), jnp.float32),
        pltpu.VMEM((_RPT,), jnp.float32),
        pltpu.VMEM_SHARED((_NPAD,), jnp.float32),
        pltpu.SemaphoreType.DMA,
    ],
)


def _agg_body(hs_hbm, edges_hbm, agg_out,
              src_v, dst_v, rows, acc_sh, gsems, ssems, sem):
    c = lax.axis_index("c")
    s = lax.axis_index("s")
    wid = c * _NS + s
    base, n = _my_chunks(wid)
    cp1 = pltpu.async_copy(edges_hbm.at[0, pl.ds(base, _CMAX), :], src_v, sem)
    cp2 = pltpu.async_copy(edges_hbm.at[1, pl.ds(base, _CMAX), :], dst_v, sem)

    def zfill(j, carry):
        for k in range(_F // 16):
            rows[0][j, pl.ds(k * 16, 16)] = jnp.zeros((16,), jnp.float32)
        return carry

    lax.fori_loop(0, _CHUNK, zfill, 0)
    for k in range(_RPT // _CHUNK):
        pltpu.sync_copy(rows[0],
                        acc_sh.at[pl.ds(s * _RPT + k * _CHUNK, _CHUNK), :])
    cp1.wait()
    cp2.wait()
    for k in range(_NBUF):
        pltpu.async_copy(hs_hbm.at[src_v.at[k]], rows[k], gsems[k])
    plsc.subcore_barrier()

    ngrp = n // _NBUF
    nrem = n - ngrp * _NBUF

    def body(g, carry):
        j = g * _NBUF
        for k in range(_NBUF):
            pltpu.make_async_copy(hs_hbm.at[src_v.at[j + k]],
                                  rows[k], gsems[k]).wait()
            pltpu.async_copy(rows[k], acc_sh.at[dst_v.at[j + k]], ssems[k],
                             add=True)
        for k in range(_NBUF):
            pltpu.make_async_copy(rows[k], acc_sh.at[dst_v.at[j + k]],
                                  ssems[k]).wait()
            jn = jnp.minimum(j + _NBUF + k, n - 1)
            pltpu.async_copy(hs_hbm.at[src_v.at[jn]], rows[k], gsems[k])
        return carry

    lax.fori_loop(0, ngrp, body, 0)

    def tail_k(k):
        j = ngrp * _NBUF + k
        pltpu.make_async_copy(hs_hbm.at[src_v.at[jnp.minimum(j, n - 1)]],
                              rows[k], gsems[k]).wait()

        @pl.when(k < nrem)
        def _():
            pltpu.sync_copy(rows[k], acc_sh.at[dst_v.at[j]], add=True)

    for k in range(_NBUF):
        tail_k(k)
    plsc.subcore_barrier()
    for k in range(_RPT // _CHUNK):
        pltpu.sync_copy(acc_sh.at[pl.ds(s * _RPT + k * _CHUNK, _CHUNK), :],
                        rows[0])
        pltpu.sync_copy(rows[0],
                        agg_out.at[c, pl.ds(s * _RPT + k * _CHUNK, _CHUNK), :])


_agg_kernel = pl.kernel(
    _agg_body,
    out_type=jax.ShapeDtypeStruct((_NC, _NPAD, _F), jnp.float32),
    mesh=_mesh,
    compiler_params=_sc_params,
    scratch_types=[
        pltpu.VMEM((_CMAX, _CHUNK), jnp.int32),
        pltpu.VMEM((_CMAX, _CHUNK), jnp.int32),
        [pltpu.VMEM((_CHUNK, _F), jnp.float32) for _ in range(_NBUF)],
        pltpu.VMEM_SHARED((_NPAD, _F), jnp.float32),
        [pltpu.SemaphoreType.DMA for _ in range(_NBUF)],
        [pltpu.SemaphoreType.DMA for _ in range(_NBUF)],
        pltpu.SemaphoreType.DMA,
    ],
)


_BM = 2048
_GRID = (_N + _BM - 1) // _BM


def _dis_col(deg_ref):
    deg = deg_ref[0, :, :] + deg_ref[1, :, :]
    dis = lax.rsqrt(jnp.maximum(deg, 1.0))
    dis_t = dis.T
    return jnp.concatenate(
        [dis_t[:, r:r + 1] for r in range(_BM // 128)], axis=0)


def _mm_body(x_ref, w_ref, h_ref):
    h_ref[...] = jnp.dot(x_ref[...], w_ref[...],
                         preferred_element_type=jnp.float32)


def _mm_call(x, W):
    return pl.pallas_call(
        _mm_body,
        grid=(_GRID,),
        in_specs=[
            pl.BlockSpec((_BM, _D), lambda i: (i, 0)),
            pl.BlockSpec((_D, _F), lambda i: (0, 0)),
        ],
        out_specs=pl.BlockSpec((_BM, _F), lambda i: (i, 0)),
        out_shape=jax.ShapeDtypeStruct((_N, _F), jnp.float32),
    )(x, W)


def _scale_body(h_ref, deg_ref, hs_ref):
    hs_ref[...] = h_ref[...] * _dis_col(deg_ref)


def _scale_call(h, deg3):
    return pl.pallas_call(
        _scale_body,
        grid=(_GRID,),
        in_specs=[
            pl.BlockSpec((_BM, _F), lambda i: (i, 0)),
            pl.BlockSpec((_NC, _BM // 128, 128), lambda i: (0, i, 0)),
        ],
        out_specs=pl.BlockSpec((_BM, _F), lambda i: (i, 0)),
        out_shape=jax.ShapeDtypeStruct((_N, _F), jnp.float32),
    )(h, deg3)


def _fin_body(agg_ref, deg_ref, b_ref, out_ref):
    agg = agg_ref[0, :, :] + agg_ref[1, :, :]
    out_ref[...] = agg * _dis_col(deg_ref) + b_ref[0, :]


def _fin_call(agg_parts, deg3, b2):
    return pl.pallas_call(
        _fin_body,
        grid=(_GRID,),
        in_specs=[
            pl.BlockSpec((_NC, _BM, _F), lambda i: (0, i, 0)),
            pl.BlockSpec((_NC, _BM // 128, 128), lambda i: (0, i, 0)),
            pl.BlockSpec((1, _F), lambda i: (0, 0)),
        ],
        out_specs=pl.BlockSpec((_BM, _F), lambda i: (i, 0)),
        out_shape=jax.ShapeDtypeStruct((_N, _F), jnp.float32),
    )(agg_parts, deg3, b2)


def kernel(x, edge_index, W, b):
    edges = edge_index.reshape(2, _NCHUNK, _CHUNK)
    deg_parts = _deg_kernel(edges)
    deg3 = deg_parts.reshape(_NC, _NPAD // 128, 128)
    h = _mm_call(x, W)
    hs = _scale_call(h, deg3)
    agg_parts = _agg_kernel(hs, edges)
    out = _fin_call(agg_parts, deg3, b.reshape(1, _F))
    return out

# --- scband reference (transcript-rebuilt; emitter-appended) ---
"""Pipeline reference for scband-gcnmodel-9964324127481 (READ-ONLY COPY).

The authoritative reference and input builder live on the scoring server;
editing this copy changes nothing except your own understanding.
"""

import jax, jax.numpy as jnp
import numpy as np

N = 10000
E = 320000
D = 128
F = 64

def setup_inputs(seed: int = 0) -> dict:
    key = jax.random.key(seed)
    k1, k2, k3 = jax.random.split(key, 3)
    x = jax.random.normal(k1, (N, D), dtype=jnp.float32)
    edge_index = jax.random.randint(k2, (2, E), 0, N, dtype=jnp.int32)
    W = jax.random.normal(k3, (D, F), dtype=jnp.float32) * 0.05
    b = jnp.zeros((F,), dtype=jnp.float32)
    return {"x": x, "edge_index": edge_index, "W": W, "b": b}

def reference(x, edge_index, W, b):
    # GCN layer: symmetric degree-normalized aggregation, then linear transform.
    src = edge_index[0]
    dst = edge_index[1]
    ones = jnp.ones((E,), dtype=jnp.float32)
    deg = jax.ops.segment_sum(ones, dst, num_segments=N)
    deg = jnp.maximum(deg, 1.0)
    deg_inv_sqrt = jax.lax.rsqrt(deg)
    norm = deg_inv_sqrt[src] * deg_inv_sqrt[dst]
    # transform then propagate: h = x @ W; out[dst] += norm * h[src]
    h = x @ W
    msg = jnp.take(h, src, axis=0) * norm[:, None]
    agg = jnp.zeros((N, F), dtype=jnp.float32).at[dst].add(msg)
    out = agg + b
    return out

if __name__ == "__main__":
    import jax
    _d = setup_inputs()
    print(jax.jit(kernel)(*tuple(_d.values())))

</pallas_src>

<mosaic_0001>
#map = affine_map<(d0, d1) -> (0, 0)>
#map1 = affine_map<(d0, d1) -> (0, 0, 0)>
module attributes {stable_mosaic.version = 14 : i64} {
  func.func @_agg_body(%arg0: i32, %arg1: i32, %arg2: memref<10000x64xf32, #tpu.memory_space<hbm>>, %arg3: memref<2x2500x128xi32, #tpu.memory_space<hbm>>, %arg4: memref<2x10240x64xf32, #tpu.memory_space<hbm>>, %arg5: memref<79x128xi32, #tpu.memory_space<vmem>>, %arg6: memref<79x128xi32, #tpu.memory_space<vmem>>, %arg7: memref<128x64xf32, #tpu.memory_space<vmem>>, %arg8: memref<128x64xf32, #tpu.memory_space<vmem>>, %arg9: memref<128x64xf32, #tpu.memory_space<vmem>>, %arg10: memref<128x64xf32, #tpu.memory_space<vmem>>, %arg11: memref<10240x64xf32, #tpu.memory_space<vmem_shared>>, %arg12: memref<!tpu.dma_semaphore, #tpu.memory_space<semaphore_mem>>, %arg13: memref<!tpu.dma_semaphore, #tpu.memory_space<semaphore_mem>>, %arg14: memref<!tpu.dma_semaphore, #tpu.memory_space<semaphore_mem>>, %arg15: memref<!tpu.dma_semaphore, #tpu.memory_space<semaphore_mem>>, %arg16: memref<!tpu.dma_semaphore, #tpu.memory_space<semaphore_mem>>, %arg17: memref<!tpu.dma_semaphore, #tpu.memory_space<semaphore_mem>>, %arg18: memref<!tpu.dma_semaphore, #tpu.memory_space<semaphore_mem>>, %arg19: memref<!tpu.dma_semaphore, #tpu.memory_space<semaphore_mem>>, %arg20: memref<!tpu.dma_semaphore, #tpu.memory_space<semaphore_mem>>) attributes {dimension_semantics = [#tpu.dimension_semantics<core_parallel>, #tpu.dimension_semantics<subcore_parallel>], iteration_bounds = array<i64: 2, 16>, scalar_prefetch = 0 : i64, scratch_operands = 16 : i64, tpu.core_type = #tpu.core_type<sc_vector_subcore>, window_params = [{transform_indices = #map}, {transform_indices = #map1}, {transform_indices = #map1}]} {
    %mul3A = arith.constant 16 : i32
    %mul3A_0 = arith.muli %arg0, %mul3A : i32
    %add3A = arith.addi %mul3A_0, %arg1 : i32
    %mul3A_1 = arith.constant 78 : i32
    %mul3A_2 = arith.muli %mul3A_1, %add3A : i32
    %sub3A = arith.constant 28 : i32
    %sub3A_3 = arith.subi %add3A, %sub3A : i32
    %max3A = arith.constant 0 : i32
    %max3A_4 = arith.maxsi %sub3A_3, %max3A : i32
    %add3A_5 = arith.addi %mul3A_2, %max3A_4 : i32
    %ge3A = arith.constant 28 : i32
    %ge3A_6 = arith.cmpi sge, %add3A, %ge3A : i32
    %jit3A = arith.constant 1 : i32
    %jit3A_7 = arith.constant 0 : i32
    %select_n3A = arith.select %ge3A_6, %jit3A, %jit3A_7 : i32
    %add3A_8 = arith.constant 78 : i32
    %add3A_9 = arith.addi %add3A_8, %select_n3A : i32
    %dma_start3A = arith.constant 0 : i32
    %dma_start3A_10 = arith.constant 0 : i32
    %dma_start3A_11 = tpu.memref_slice %arg3[%dma_start3A, %add3A_5, %dma_start3A_10] : memref<2x2500x128xi32, #tpu.memory_space<hbm>> -> memref<1x79x128xi32, #tpu.memory_space<hbm>>
    %dma_start3A_12 = tpu.memref_squeeze %dma_start3A_11 : memref<1x79x128xi32, #tpu.memory_space<hbm>> -> memref<79x128xi32, #tpu.memory_space<hbm>>
    %dma_start3A_13 = arith.constant 0 : i32
    %dma_start3A_14 = tpu.memref_slice %arg3[%dma_start3A, %add3A_5, %dma_start3A_13] : memref<2x2500x128xi32, #tpu.memory_space<hbm>> -> memref<1x79x128xi32, #tpu.memory_space<hbm>>
    %dma_start3A_15 = tpu.memref_squeeze %dma_start3A_14 : memref<1x79x128xi32, #tpu.memory_space<hbm>> -> memref<79x128xi32, #tpu.memory_space<hbm>>
    tpu.enqueue_dma source(%dma_start3A_15 : memref<79x128xi32, #tpu.memory_space<hbm>>) target(%arg5 : memref<79x128xi32, #tpu.memory_space<vmem>>) target_semaphore(%arg20 : memref<!tpu.dma_semaphore, #tpu.memory_space<semaphore_mem>>)
    %dma_start3A_16 = arith.constant 1 : i32
    %dma_start3A_17 = arith.constant 0 : i32
    %dma_start3A_18 = tpu.memref_slice %arg3[%dma_start3A_16, %add3A_5, %dma_start3A_17] : memref<2x2500x128xi32, #tpu.memory_space<hbm>> -> memref<1x79x128xi32, #tpu.memory_space<hbm>>
    %dma_start3A_19 = tpu.memref_squeeze %dma_start3A_18 : memref<1x79x128xi32, #tpu.memory_space<hbm>> -> memref<79x128xi32, #tpu.memory_space<hbm>>
    %dma_start3A_20 = arith.constant 0 : i32
    %dma_start3A_21 = tpu.memref_slice %arg3[%dma_start3A_16, %add3A_5, %dma_start3A_20] : memref<2x2500x128xi32, #tpu.memory_space<hbm>> -> memref<1x79x128xi32, #tpu.memory_space<hbm>>
    %dma_start3A_22 = tpu.memref_squeeze %dma_start3A_21 : memref<1x79x128xi32, #tpu.memory_space<hbm>> -> memref<79x128xi32, #tpu.memory_space<hbm>>
    tpu.enqueue_dma source(%dma_start3A_22 : memref<79x128xi32, #tpu.memory_space<hbm>>) target(%arg6 : memref<79x128xi32, #tpu.memory_space<vmem>>) target_semaphore(%arg20 : memref<!tpu.dma_semaphore, #tpu.memory_space<semaphore_mem>>)
    %scan3A = arith.constant 0 : i32
    %scan3A_23 = arith.constant 0 : i32
    %scan3A_24 = arith.constant 128 : i32
    %scan3A_25 = arith.addi %scan3A_23, %scan3A_24 : i32
    %scan3A_26 = arith.constant 1 : i32
    scf.for %scan3A_229 = %scan3A_23 to %scan3A_25 step %scan3A_26  : i32 {
      %broadcast_in_dim3A = arith.constant 0.000000e+00 : f32
      %broadcast_in_dim3A_230 = vector.broadcast %broadcast_in_dim3A : f32 to vector<16xf32>
      %swap3A = arith.index_cast %scan3A_229 : i32 to index
      %swap3A_231 = arith.constant 0 : index
      %swap3A_232 = tpu.vector_load %arg7[%swap3A, %swap3A_231] {strides = array<i32>} : memref<128x64xf32, #tpu.memory_space<vmem>>, vector<1x16xf32>,
      %swap3A_233 = vector.shape_cast %swap3A_232 : vector<1x16xf32> to vector<16xf32>
      %swap3A_234 = vector.shape_cast %broadcast_in_dim3A_230 : vector<16xf32> to vector<1x16xf32>
      tpu.vector_store %arg7[%swap3A, %swap3A_231], %swap3A_234 {strides = array<i32>} : memref<128x64xf32, #tpu.memory_space<vmem>>, vector<1x16xf32>,
      %broadcast_in_dim3A_235 = arith.constant 0.000000e+00 : f32
      %broadcast_in_dim3A_236 = vector.broadcast %broadcast_in_dim3A_235 : f32 to vector<16xf32>
      %swap3A_237 = arith.index_cast %scan3A_229 : i32 to index
      %swap3A_238 = arith.constant 16 : index
      %swap3A_239 = tpu.vector_load %arg7[%swap3A_237, %swap3A_238] {strides = array<i32>} : memref<128x64xf32, #tpu.memory_space<vmem>>, vector<1x16xf32>,
      %swap3A_240 = vector.shape_cast %swap3A_239 : vector<1x16xf32> to vector<16xf32>
      %swap3A_241 = vector.shape_cast %broadcast_in_dim3A_236 : vector<16xf32> to vector<1x16xf32>
      tpu.vector_store %arg7[%swap3A_237, %swap3A_238], %swap3A_241 {strides = array<i32>} : memref<128x64xf32, #tpu.memory_space<vmem>>, vector<1x16xf32>,
      %broadcast_in_dim3A_242 = arith.constant 0.000000e+00 : f32
      %broadcast_in_dim3A_243 = vector.broadcast %broadcast_in_dim3A_242 : f32 to vector<16xf32>
      %swap3A_244 = arith.index_cast %scan3A_229 : i32 to index
      %swap3A_245 = arith.constant 32 : index
      %swap3A_246 = tpu.vector_load %arg7[%swap3A_244, %swap3A_245] {strides = array<i32>} : memref<128x64xf32, #tpu.memory_space<vmem>>, vector<1x16xf32>,
      %swap3A_247 = vector.shape_cast %swap3A_246 : vector<1x16xf32> to vector<16xf32>
      %swap3A_248 = vector.shape_cast %broadcast_in_dim3A_243 : vector<16xf32> to vector<1x16xf32>
      tpu.vector_store %arg7[%swap3A_244, %swap3A_245], %swap3A_248 {strides = array<i32>} : memref<128x64xf32, #tpu.memory_space<vmem>>, vector<1x16xf32>,
      %broadcast_in_dim3A_249 = arith.constant 0.000000e+00 : f32
      %broadcast_in_dim3A_250 = vector.broadcast %broadcast_in_dim3A_249 : f32 to vector<16xf32>
      %swap3A_251 = arith.index_cast %scan3A_229 : i32 to index
      %swap3A_252 = arith.constant 48 : index
      %swap3A_253 = tpu.vector_load %arg7[%swap3A_251, %swap3A_252] {strides = array<i32>} : memref<128x64xf32, #tpu.memory_space<vmem>>, vector<1x16xf32>,
      %swap3A_254 = vector.shape_cast %swap3A_253 : vector<1x16xf32> to vector<16xf32>
      %swap3A_255 = vector.shape_cast %broadcast_in_dim3A_250 : vector<16xf32> to vector<1x16xf32>
      tpu.vector_store %arg7[%swap3A_251, %swap3A_252], %swap3A_255 {strides = array<i32>} : memref<128x64xf32, #tpu.memory_space<vmem>>, vector<1x16xf32>,
    }
    %scan3A_27 = arith.constant 128 : i32
    %mul3A_28 = arith.constant 640 : i32
    %mul3A_29 = arith.muli %arg1, %mul3A_28 : i32
    %add3A_30 = arith.constant 0 : i32
    %add3A_31 = arith.addi %mul3A_29, %add3A_30 : i32
    "tpu.region"() ({
      %run_scoped3A = tpu.sem_alloc : memref<!tpu.dma_semaphore, #tpu.memory_space<semaphore_mem>>
      %dma_start3A_229 = arith.constant 0 : i32
      %dma_start3A_230 = tpu.memref_slice %arg11[%add3A_31, %dma_start3A_229] : memref<10240x64xf32, #tpu.memory_space<vmem_shared>> -> memref<128x64xf32, #tpu.memory_space<vmem_shared>>
      %dma_start3A_231 = arith.constant 0 : i32
      %dma_start3A_232 = tpu.memref_slice %arg11[%add3A_31, %dma_start3A_231] : memref<10240x64xf32, #tpu.memory_space<vmem_shared>> -> memref<128x64xf32, #tpu.memory_space<vmem_shared>>
      tpu.enqueue_dma source(%arg7 : memref<128x64xf32, #tpu.memory_space<vmem>>) target(%dma_start3A_232 : memref<128x64xf32, #tpu.memory_space<vmem_shared>>) target_semaphore(%run_scoped3A : memref<!tpu.dma_semaphore, #tpu.memory_space<semaphore_mem>>)
      %dma_wait3A_233 = arith.constant 0 : i32
      %dma_wait3A_234 = tpu.memref_slice %arg11[%add3A_31, %dma_wait3A_233] : memref<10240x64xf32, #tpu.memory_space<vmem_shared>> -> memref<128x64xf32, #tpu.memory_space<vmem_shared>>
      %dma_wait3A_235 = arith.constant 0 : i32
      %dma_wait3A_236 = tpu.memref_slice %arg11[%add3A_31, %dma_wait3A_235] : memref<10240x64xf32, #tpu.memory_space<vmem_shared>> -> memref<128x64xf32, #tpu.memory_space<vmem_shared>>
      tpu.wait_dma2 semaphore(%run_scoped3A : memref<!tpu.dma_semaphore, #tpu.memory_space<semaphore_mem>>) src(%arg7 : memref<128x64xf32, #tpu.memory_space<vmem>>) dst(%dma_wait3A_236 : memref<128x64xf32, #tpu.memory_space<vmem_shared>>)
      tpu.yield
    }) : () -> ()
    %mul3A_32 = arith.constant 640 : i32
    %mul3A_33 = arith.muli %arg1, %mul3A_32 : i32
    %add3A_34 = arith.constant 128 : i32
    %add3A_35 = arith.addi %mul3A_33, %add3A_34 : i32
    "tpu.region"() ({
      %run_scoped3A = tpu.sem_alloc : memref<!tpu.dma_semaphore, #tpu.memory_space<semaphore_mem>>
      %dma_start3A_229 = arith.constant 0 : i32
      %dma_start3A_230 = tpu.memref_slice %arg11[%add3A_35, %dma_start3A_229] : memref<10240x64xf32, #tpu.memory_space<vmem_shared>> -> memref<128x64xf32, #tpu.memory_space<vmem_shared>>
      %dma_start3A_231 = arith.constant 0 : i32
      %dma_start3A_232 = tpu.memref_slice %arg11[%add3A_35, %dma_start3A_231] : memref<10240x64xf32, #tpu.memory_space<vmem_shared>> -> memref<128x64xf32, #tpu.memory_space<vmem_shared>>
      tpu.enqueue_dma source(%arg7 : memref<128x64xf32, #tpu.memory_space<vmem>>) target(%dma_start3A_232 : memref<128x64xf32, #tpu.memory_space<vmem_shared>>) target_semaphore(%run_scoped3A : memref<!tpu.dma_semaphore, #tpu.memory_space<semaphore_mem>>)
      %dma_wait3A_233 = arith.constant 0 : i32
      %dma_wait3A_234 = tpu.memref_slice %arg11[%add3A_35, %dma_wait3A_233] : memref<10240x64xf32, #tpu.memory_space<vmem_shared>> -> memref<128x64xf32, #tpu.memory_space<vmem_shared>>
      %dma_wait3A_235 = arith.constant 0 : i32
      %dma_wait3A_236 = tpu.memref_slice %arg11[%add3A_35, %dma_wait3A_235] : memref<10240x64xf32, #tpu.memory_space<vmem_shared>> -> memref<128x64xf32, #tpu.memory_space<vmem_shared>>
      tpu.wait_dma2 semaphore(%run_scoped3A : memref<!tpu.dma_semaphore, #tpu.memory_space<semaphore_mem>>) src(%arg7 : memref<128x64xf32, #tpu.memory_space<vmem>>) dst(%dma_wait3A_236 : memref<128x64xf32, #tpu.memory_space<vmem_shared>>)
      tpu.yield
    }) : () -> ()
    %mul3A_36 = arith.constant 640 : i32
    %mul3A_37 = arith.muli %arg1, %mul3A_36 : i32
    %add3A_38 = arith.constant 256 : i32
    %add3A_39 = arith.addi %mul3A_37, %add3A_38 : i32
    "tpu.region"() ({
      %run_scoped3A = tpu.sem_alloc : memref<!tpu.dma_semaphore, #tpu.memory_space<semaphore_mem>>
      %dma_start3A_229 = arith.constant 0 : i32
      %dma_start3A_230 = tpu.memref_slice %arg11[%add3A_39, %dma_start3A_229] : memref<10240x64xf32, #tpu.memory_space<vmem_shared>> -> memref<128x64xf32, #tpu.memory_space<vmem_shared>>
      %dma_start3A_231 = arith.constant 0 : i32
      %dma_start3A_232 = tpu.memref_slice %arg11[%add3A_39, %dma_start3A_231] : memref<10240x64xf32, #tpu.memory_space<vmem_shared>> -> memref<128x64xf32, #tpu.memory_space<vmem_shared>>
      tpu.enqueue_dma source(%arg7 : memref<128x64xf32, #tpu.memory_space<vmem>>) target(%dma_start3A_232 : memref<128x64xf32, #tpu.memory_space<vmem_shared>>) target_semaphore(%run_scoped3A : memref<!tpu.dma_semaphore, #tpu.memory_space<semaphore_mem>>)
      %dma_wait3A_233 = arith.constant 0 : i32
      %dma_wait3A_234 = tpu.memref_slice %arg11[%add3A_39, %dma_wait3A_233] : memref<10240x64xf32, #tpu.memory_space<vmem_shared>> -> memref<128x64xf32, #tpu.memory_space<vmem_shared>>
      %dma_wait3A_235 = arith.constant 0 : i32
      %dma_wait3A_236 = tpu.memref_slice %arg11[%add3A_39, %dma_wait3A_235] : memref<10240x64xf32, #tpu.memory_space<vmem_shared>> -> memref<128x64xf32, #tpu.memory_space<vmem_shared>>
      tpu.wait_dma2 semaphore(%run_scoped3A : memref<!tpu.dma_semaphore, #tpu.memory_space<semaphore_mem>>) src(%arg7 : memref<128x64xf32, #tpu.memory_space<vmem>>) dst(%dma_wait3A_236 : memref<128x64xf32, #tpu.memory_space<vmem_shared>>)
      tpu.yield
    }) : () -> ()
    %mul3A_40 = arith.constant 640 : i32
    %mul3A_41 = arith.muli %arg1, %mul3A_40 : i32
    %add3A_42 = arith.constant 384 : i32
    %add3A_43 = arith.addi %mul3A_41, %add3A_42 : i32
    "tpu.region"() ({
      %run_scoped3A = tpu.sem_alloc : memref<!tpu.dma_semaphore, #tpu.memory_space<semaphore_mem>>
      %dma_start3A_229 = arith.constant 0 : i32
      %dma_start3A_230 = tpu.memref_slice %arg11[%add3A_43, %dma_start3A_229] : memref<10240x64xf32, #tpu.memory_space<vmem_shared>> -> memref<128x64xf32, #tpu.memory_space<vmem_shared>>
      %dma_start3A_231 = arith.constant 0 : i32
      %dma_start3A_232 = tpu.memref_slice %arg11[%add3A_43, %dma_start3A_231] : memref<10240x64xf32, #tpu.memory_space<vmem_shared>> -> memref<128x64xf32, #tpu.memory_space<vmem_shared>>
      tpu.enqueue_dma source(%arg7 : memref<128x64xf32, #tpu.memory_space<vmem>>) target(%dma_start3A_232 : memref<128x64xf32, #tpu.memory_space<vmem_shared>>) target_semaphore(%run_scoped3A : memref<!tpu.dma_semaphore, #tpu.memory_space<semaphore_mem>>)
      %dma_wait3A_233 = arith.constant 0 : i32
      %dma_wait3A_234 = tpu.memref_slice %arg11[%add3A_43, %dma_wait3A_233] : memref<10240x64xf32, #tpu.memory_space<vmem_shared>> -> memref<128x64xf32, #tpu.memory_space<vmem_shared>>
      %dma_wait3A_235 = arith.constant 0 : i32
      %dma_wait3A_236 = tpu.memref_slice %arg11[%add3A_43, %dma_wait3A_235] : memref<10240x64xf32, #tpu.memory_space<vmem_shared>> -> memref<128x64xf32, #tpu.memory_space<vmem_shared>>
      tpu.wait_dma2 semaphore(%run_scoped3A : memref<!tpu.dma_semaphore, #tpu.memory_space<semaphore_mem>>) src(%arg7 : memref<128x64xf32, #tpu.memory_space<vmem>>) dst(%dma_wait3A_236 : memref<128x64xf32, #tpu.memory_space<vmem_shared>>)
      tpu.yield
    }) : () -> ()
    %mul3A_44 = arith.constant 640 : i32
    %mul3A_45 = arith.muli %arg1, %mul3A_44 : i32
    %add3A_46 = arith.constant 512 : i32
    %add3A_47 = arith.addi %mul3A_45, %add3A_46 : i32
    "tpu.region"() ({
      %run_scoped3A = tpu.sem_alloc : memref<!tpu.dma_semaphore, #tpu.memory_space<semaphore_mem>>
      %dma_start3A_229 = arith.constant 0 : i32
      %dma_start3A_230 = tpu.memref_slice %arg11[%add3A_47, %dma_start3A_229] : memref<10240x64xf32, #tpu.memory_space<vmem_shared>> -> memref<128x64xf32, #tpu.memory_space<vmem_shared>>
      %dma_start3A_231 = arith.constant 0 : i32
      %dma_start3A_232 = tpu.memref_slice %arg11[%add3A_47, %dma_start3A_231] : memref<10240x64xf32, #tpu.memory_space<vmem_shared>> -> memref<128x64xf32, #tpu.memory_space<vmem_shared>>
      tpu.enqueue_dma source(%arg7 : memref<128x64xf32, #tpu.memory_space<vmem>>) target(%dma_start3A_232 : memref<128x64xf32, #tpu.memory_space<vmem_shared>>) target_semaphore(%run_scoped3A : memref<!tpu.dma_semaphore, #tpu.memory_space<semaphore_mem>>)
      %dma_wait3A_233 = arith.constant 0 : i32
      %dma_wait3A_234 = tpu.memref_slice %arg11[%add3A_47, %dma_wait3A_233] : memref<10240x64xf32, #tpu.memory_space<vmem_shared>> -> memref<128x64xf32, #tpu.memory_space<vmem_shared>>
      %dma_wait3A_235 = arith.constant 0 : i32
      %dma_wait3A_236 = tpu.memref_slice %arg11[%add3A_47, %dma_wait3A_235] : memref<10240x64xf32, #tpu.memory_space<vmem_shared>> -> memref<128x64xf32, #tpu.memory_space<vmem_shared>>
      tpu.wait_dma2 semaphore(%run_scoped3A : memref<!tpu.dma_semaphore, #tpu.memory_space<semaphore_mem>>) src(%arg7 : memref<128x64xf32, #tpu.memory_space<vmem>>) dst(%dma_wait3A_236 : memref<128x64xf32, #tpu.memory_space<vmem_shared>>)
      tpu.yield
    }) : () -> ()
    %dma_wait3A = arith.constant 0 : i32
    %dma_wait3A_48 = arith.constant 0 : i32
    %dma_wait3A_49 = tpu.memref_slice %arg3[%dma_wait3A, %add3A_5, %dma_wait3A_48] : memref<2x2500x128xi32, #tpu.memory_space<hbm>> -> memref<1x79x128xi32, #tpu.memory_space<hbm>>
    %dma_wait3A_50 = tpu.memref_squeeze %dma_wait3A_49 : memref<1x79x128xi32, #tpu.memory_space<hbm>> -> memref<79x128xi32, #tpu.memory_space<hbm>>
    %dma_wait3A_51 = arith.constant 0 : i32
    %dma_wait3A_52 = tpu.memref_slice %arg3[%dma_wait3A, %add3A_5, %dma_wait3A_51] : memref<2x2500x128xi32, #tpu.memory_space<hbm>> -> memref<1x79x128xi32, #tpu.memory_space<hbm>>
    %dma_wait3A_53 = tpu.memref_squeeze %dma_wait3A_52 : memref<1x79x128xi32, #tpu.memory_space<hbm>> -> memref<79x128xi32, #tpu.memory_space<hbm>>
    tpu.wait_dma2 semaphore(%arg20 : memref<!tpu.dma_semaphore, #tpu.memory_space<semaphore_mem>>) src(%dma_wait3A_53 : memref<79x128xi32, #tpu.memory_space<hbm>>) dst(%arg5 : memref<79x128xi32, #tpu.memory_space<vmem>>)
    %dma_wait3A_54 = arith.constant 1 : i32
    %dma_wait3A_55 = arith.constant 0 : i32
    %dma_wait3A_56 = tpu.memref_slice %arg3[%dma_wait3A_54, %add3A_5, %dma_wait3A_55] : memref<2x2500x128xi32, #tpu.memory_space<hbm>> -> memref<1x79x128xi32, #tpu.memory_space<hbm>>
    %dma_wait3A_57 = tpu.memref_squeeze %dma_wait3A_56 : memref<1x79x128xi32, #tpu.memory_space<hbm>> -> memref<79x128xi32, #tpu.memory_space<hbm>>
    %dma_wait3A_58 = arith.constant 0 : i32
    %dma_wait3A_59 = tpu.memref_slice %arg3[%dma_wait3A_54, %add3A_5, %dma_wait3A_58] : memref<2x2500x128xi32, #tpu.memory_space<hbm>> -> memref<1x79x128xi32, #tpu.memory_space<hbm>>
    %dma_wait3A_60 = tpu.memref_squeeze %dma_wait3A_59 : memref<1x79x128xi32, #tpu.memory_space<hbm>> -> memref<79x128xi32, #tpu.memory_space<hbm>>
    tpu.wait_dma2 semaphore(%arg20 : memref<!tpu.dma_semaphore, #tpu.memory_space<semaphore_mem>>) src(%dma_wait3A_60 : memref<79x128xi32, #tpu.memory_space<hbm>>) dst(%arg6 : memref<79x128xi32, #tpu.memory_space<vmem>>)
    %dma_start3A_61 = arith.constant 0 : i32
    %dma_start3A_62 = arith.constant 0 : i32
    %dma_start3A_63 = tpu.memref_slice %arg5[%dma_start3A_61, %dma_start3A_62] : memref<79x128xi32, #tpu.memory_space<vmem>> -> memref<1x128xi32, #tpu.memory_space<vmem>>
    %dma_start3A_64 = tpu.memref_squeeze %dma_start3A_63 : memref<1x128xi32, #tpu.memory_space<vmem>> -> memref<128xi32, #tpu.memory_space<vmem>>
    %dma_start3A_65 = arith.constant 0 : i32
    %dma_start3A_66 = arith.constant 0 : i32
    %dma_start3A_67 = tpu.memref_slice %arg2[%dma_start3A_65, %dma_start3A_66] : memref<10000x64xf32, #tpu.memory_space<hbm>> -> memref<10000x64xf32, #tpu.memory_space<hbm>>
    tpu.enqueue_indirect_dma source(%dma_start3A_67 : memref<10000x64xf32, #tpu.memory_space<hbm>>) target(%arg7 : memref<128x64xf32, #tpu.memory_space<vmem>>) offsets(%dma_start3A_64 : memref<128xi32, #tpu.memory_space<vmem>>) semaphore(%arg12 : memref<!tpu.dma_semaphore, #tpu.memory_space<semaphore_mem>>)
    %dma_start3A_68 = arith.constant 1 : i32
    %dma_start3A_69 = arith.constant 0 : i32
    %dma_start3A_70 = tpu.memref_slice %arg5[%dma_start3A_68, %dma_start3A_69] : memref<79x128xi32, #tpu.memory_space<vmem>> -> memref<1x128xi32, #tpu.memory_space<vmem>>
    %dma_start3A_71 = tpu.memref_squeeze %dma_start3A_70 : memref<1x128xi32, #tpu.memory_space<vmem>> -> memref<128xi32, #tpu.memory_space<vmem>>
    %dma_start3A_72 = arith.constant 0 : i32
    %dma_start3A_73 = arith.constant 0 : i32
    %dma_start3A_74 = tpu.memref_slice %arg2[%dma_start3A_72, %dma_start3A_73] : memref<10000x64xf32, #tpu.memory_space<hbm>> -> memref<10000x64xf32, #tpu.memory_space<hbm>>
    tpu.enqueue_indirect_dma source(%dma_start3A_74 : memref<10000x64xf32, #tpu.memory_space<hbm>>) target(%arg8 : memref<128x64xf32, #tpu.memory_space<vmem>>) offsets(%dma_start3A_71 : memref<128xi32, #tpu.memory_space<vmem>>) semaphore(%arg13 : memref<!tpu.dma_semaphore, #tpu.memory_space<semaphore_mem>>)
    %dma_start3A_75 = arith.constant 2 : i32
    %dma_start3A_76 = arith.constant 0 : i32
    %dma_start3A_77 = tpu.memref_slice %arg5[%dma_start3A_75, %dma_start3A_76] : memref<79x128xi32, #tpu.memory_space<vmem>> -> memref<1x128xi32, #tpu.memory_space<vmem>>
    %dma_start3A_78 = tpu.memref_squeeze %dma_start3A_77 : memref<1x128xi32, #tpu.memory_space<vmem>> -> memref<128xi32, #tpu.memory_space<vmem>>
    %dma_start3A_79 = arith.constant 0 : i32
    %dma_start3A_80 = arith.constant 0 : i32
    %dma_start3A_81 = tpu.memref_slice %arg2[%dma_start3A_79, %dma_start3A_80] : memref<10000x64xf32, #tpu.memory_space<hbm>> -> memref<10000x64xf32, #tpu.memory_space<hbm>>
    tpu.enqueue_indirect_dma source(%dma_start3A_81 : memref<10000x64xf32, #tpu.memory_space<hbm>>) target(%arg9 : memref<128x64xf32, #tpu.memory_space<vmem>>) offsets(%dma_start3A_78 : memref<128xi32, #tpu.memory_space<vmem>>) semaphore(%arg14 : memref<!tpu.dma_semaphore, #tpu.memory_space<semaphore_mem>>)
    %dma_start3A_82 = arith.constant 3 : i32
    %dma_start3A_83 = arith.constant 0 : i32
    %dma_start3A_84 = tpu.memref_slice %arg5[%dma_start3A_82, %dma_start3A_83] : memref<79x128xi32, #tpu.memory_space<vmem>> -> memref<1x128xi32, #tpu.memory_space<vmem>>
    %dma_start3A_85 = tpu.memref_squeeze %dma_start3A_84 : memref<1x128xi32, #tpu.memory_space<vmem>> -> memref<128xi32, #tpu.memory_space<vmem>>
    %dma_start3A_86 = arith.constant 0 : i32
    %dma_start3A_87 = arith.constant 0 : i32
    %dma_start3A_88 = tpu.memref_slice %arg2[%dma_start3A_86, %dma_start3A_87] : memref<10000x64xf32, #tpu.memory_space<hbm>> -> memref<10000x64xf32, #tpu.memory_space<hbm>>
    tpu.enqueue_indirect_dma source(%dma_start3A_88 : memref<10000x64xf32, #tpu.memory_space<hbm>>) target(%arg10 : memref<128x64xf32, #tpu.memory_space<vmem>>) offsets(%dma_start3A_85 : memref<128xi32, #tpu.memory_space<vmem>>) semaphore(%arg15 : memref<!tpu.dma_semaphore, #tpu.memory_space<semaphore_mem>>)
    %barrier3A = arith.constant 0 : index
    tpu.barrier barrier_id(%barrier3A)
    %jit3A_89 = arith.constant 4 : i32
    %div3A = arith.divsi %add3A_9, %jit3A_89 : i32
    %sign3A = arith.constant 0 : i32
    %sign3A_90 = arith.cmpi sgt, %add3A_9, %sign3A : i32
    %sign3A_91 = arith.extui %sign3A_90 : i1 to i32
    %sign3A_92 = arith.constant 0 : i32
    %sign3A_93 = arith.cmpi slt, %add3A_9, %sign3A_92 : i32
    %sign3A_94 = arith.extui %sign3A_93 : i1 to i32
    %sign3A_95 = arith.subi %sign3A_91, %sign3A_94 : i32
    %sign3A_96 = arith.constant 0 : i32
    %sign3A_97 = arith.cmpi sgt, %jit3A_89, %sign3A_96 : i32
    %sign3A_98 = arith.extui %sign3A_97 : i1 to i32
    %sign3A_99 = arith.constant 0 : i32
    %sign3A_100 = arith.cmpi slt, %jit3A_89, %sign3A_99 : i32
    %sign3A_101 = arith.extui %sign3A_100 : i1 to i32
    %sign3A_102 = arith.subi %sign3A_98, %sign3A_101 : i32
    %ne3A = arith.cmpi ne, %sign3A_95, %sign3A_102 : i32
    %rem3A = arith.remsi %add3A_9, %jit3A_89 : i32
    %ne3A_103 = arith.constant 0 : i32
    %ne3A_104 = arith.cmpi ne, %rem3A, %ne3A_103 : i32
    %and3A = arith.andi %ne3A, %ne3A_104 : i1
    %sub3A_105 = arith.constant 1 : i32
    %sub3A_106 = arith.subi %div3A, %sub3A_105 : i32
    %select_n3A_107 = arith.select %and3A, %sub3A_106, %div3A : i32
    %mul3A_108 = arith.constant 4 : i32
    %mul3A_109 = arith.muli %select_n3A_107, %mul3A_108 : i32
    %sub3A_110 = arith.subi %add3A_9, %mul3A_109 : i32
    %while3A = arith.constant 0 : i32
    %while3A_111 = arith.constant 0 : i32
    %while3A_112 = arith.subi %select_n3A_107, %while3A_111 : i32
    %while3A_113 = arith.addi %while3A_111, %while3A_112 : i32
    %while3A_114 = arith.constant 1 : i32
    %while3A_115 = arith.divsi %while3A_112, %while3A_114 : i32
    %while3A_116 = arith.muli %while3A_115, %while3A_114 : i32
    %while3A_117 = arith.addi %while3A_111, %while3A_116 : i32
    %while3A_118 = arith.constant 1 : i32
    scf.for %while3A_229 = %while3A_111 to %while3A_117 step %while3A_118  : i32 {
      %mul3A_230 = arith.constant 4 : i32
      %mul3A_231 = arith.muli %while3A_229, %mul3A_230 : i32
      %add3A_232 = arith.constant 0 : i32
      %add3A_233 = arith.addi %mul3A_231, %add3A_232 : i32
      %dma_wait3A_234 = arith.constant 0 : i32
      %dma_wait3A_235 = tpu.memref_slice %arg5[%add3A_233, %dma_wait3A_234] : memref<79x128xi32, #tpu.memory_space<vmem>> -> memref<1x128xi32, #tpu.memory_space<vmem>>
      %dma_wait3A_236 = tpu.memref_squeeze %dma_wait3A_235 : memref<1x128xi32, #tpu.memory_space<vmem>> -> memref<128xi32, #tpu.memory_space<vmem>>
      %dma_wait3A_237 = arith.constant 0 : i32
      %dma_wait3A_238 = arith.constant 0 : i32
      %dma_wait3A_239 = tpu.memref_slice %arg2[%dma_wait3A_237, %dma_wait3A_238] : memref<10000x64xf32, #tpu.memory_space<hbm>> -> memref<10000x64xf32, #tpu.memory_space<hbm>>
      tpu.wait_indirect_dma semaphore(%arg12 : memref<!tpu.dma_semaphore, #tpu.memory_space<semaphore_mem>>) src(%dma_wait3A_239 : memref<10000x64xf32, #tpu.memory_space<hbm>>) dst(%arg7 : memref<128x64xf32, #tpu.memory_space<vmem>>)
      %add3A_240 = arith.constant 0 : i32
      %add3A_241 = arith.addi %mul3A_231, %add3A_240 : i32
      %dma_start3A_242 = arith.constant 0 : i32
      %dma_start3A_243 = tpu.memref_slice %arg6[%add3A_241, %dma_start3A_242] : memref<79x128xi32, #tpu.memory_space<vmem>> -> memref<1x128xi32, #tpu.memory_space<vmem>>
      %dma_start3A_244 = tpu.memref_squeeze %dma_start3A_243 : memref<1x128xi32, #tpu.memory_space<vmem>> -> memref<128xi32, #tpu.memory_space<vmem>>
      %dma_start3A_245 = arith.constant 0 : i32
      %dma_start3A_246 = arith.constant 0 : i32
      %dma_start3A_247 = tpu.memref_slice %arg11[%dma_start3A_245, %dma_start3A_246] : memref<10240x64xf32, #tpu.memory_space<vmem_shared>> -> memref<10240x64xf32, #tpu.memory_space<vmem_shared>>
      tpu.enqueue_indirect_dma source(%arg7 : memref<128x64xf32, #tpu.memory_space<vmem>>) target(%dma_start3A_247 : memref<10240x64xf32, #tpu.memory_space<vmem_shared>>) offsets(%dma_start3A_244 : memref<128xi32, #tpu.memory_space<vmem>>) semaphore(%arg16 : memref<!tpu.dma_semaphore, #tpu.memory_space<semaphore_mem>>) {add = true}
      %add3A_248 = arith.constant 1 : i32
      %add3A_249 = arith.addi %mul3A_231, %add3A_248 : i32
      %dma_wait3A_250 = arith.constant 0 : i32
      %dma_wait3A_251 = tpu.memref_slice %arg5[%add3A_249, %dma_wait3A_250] : memref<79x128xi32, #tpu.memory_space<vmem>> -> memref<1x128xi32, #tpu.memory_space<vmem>>
      %dma_wait3A_252 = tpu.memref_squeeze %dma_wait3A_251 : memref<1x128xi32, #tpu.memory_space<vmem>> -> memref<128xi32, #tpu.memory_space<vmem>>
      %dma_wait3A_253 = arith.constant 0 : i32
      %dma_wait3A_254 = arith.constant 0 : i32
      %dma_wait3A_255 = tpu.memref_slice %arg2[%dma_wait3A_253, %dma_wait3A_254] : memref<10000x64xf32, #tpu.memory_space<hbm>> -> memref<10000x64xf32, #tpu.memory_space<hbm>>
      tpu.wait_indirect_dma semaphore(%arg13 : memref<!tpu.dma_semaphore, #tpu.memory_space<semaphore_mem>>) src(%dma_wait3A_255 : memref<10000x64xf32, #tpu.memory_space<hbm>>) dst(%arg8 : memref<128x64xf32, #tpu.memory_space<vmem>>)
      %add3A_256 = arith.constant 1 : i32
      %add3A_257 = arith.addi %mul3A_231, %add3A_256 : i32
      %dma_start3A_258 = arith.constant 0 : i32
      %dma_start3A_259 = tpu.memref_slice %arg6[%add3A_257, %dma_start3A_258] : memref<79x128xi32, #tpu.memory_space<vmem>> -> memref<1x128xi32, #tpu.memory_space<vmem>>
      %dma_start3A_260 = tpu.memref_squeeze %dma_start3A_259 : memref<1x128xi32, #tpu.memory_space<vmem>> -> memref<128xi32, #tpu.memory_space<vmem>>
      %dma_start3A_261 = arith.constant 0 : i32
      %dma_start3A_262 = arith.constant 0 : i32
      %dma_start3A_263 = tpu.memref_slice %arg11[%dma_start3A_261, %dma_start3A_262] : memref<10240x64xf32, #tpu.memory_space<vmem_shared>> -> memref<10240x64xf32, #tpu.memory_space<vmem_shared>>
      tpu.enqueue_indirect_dma source(%arg8 : memref<128x64xf32, #tpu.memory_space<vmem>>) target(%dma_start3A_263 : memref<10240x64xf32, #tpu.memory_space<vmem_shared>>) offsets(%dma_start3A_260 : memref<128xi32, #tpu.memory_space<vmem>>) semaphore(%arg17 : memref<!tpu.dma_semaphore, #tpu.memory_space<semaphore_mem>>) {add = true}
      %add3A_264 = arith.constant 2 : i32
      %add3A_265 = arith.addi %mul3A_231, %add3A_264 : i32
      %dma_wait3A_266 = arith.constant 0 : i32
      %dma_wait3A_267 = tpu.memref_slice %arg5[%add3A_265, %dma_wait3A_266] : memref<79x128xi32, #tpu.memory_space<vmem>> -> memref<1x128xi32, #tpu.memory_space<vmem>>
      %dma_wait3A_268 = tpu.memref_squeeze %dma_wait3A_267 : memref<1x128xi32, #tpu.memory_space<vmem>> -> memref<128xi32, #tpu.memory_space<vmem>>
      %dma_wait3A_269 = arith.constant 0 : i32
      %dma_wait3A_270 = arith.constant 0 : i32
      %dma_wait3A_271 = tpu.memref_slice %arg2[%dma_wait3A_269, %dma_wait3A_270] : memref<10000x64xf32, #tpu.memory_space<hbm>> -> memref<10000x64xf32, #tpu.memory_space<hbm>>
      tpu.wait_indirect_dma semaphore(%arg14 : memref<!tpu.dma_semaphore, #tpu.memory_space<semaphore_mem>>) src(%dma_wait3A_271 : memref<10000x64xf32, #tpu.memory_space<hbm>>) dst(%arg9 : memref<128x64xf32, #tpu.memory_space<vmem>>)
      %add3A_272 = arith.constant 2 : i32
      %add3A_273 = arith.addi %mul3A_231, %add3A_272 : i32
      %dma_start3A_274 = arith.constant 0 : i32
      %dma_start3A_275 = tpu.memref_slice %arg6[%add3A_273, %dma_start3A_274] : memref<79x128xi32, #tpu.memory_space<vmem>> -> memref<1x128xi32, #tpu.memory_space<vmem>>
      %dma_start3A_276 = tpu.memref_squeeze %dma_start3A_275 : memref<1x128xi32, #tpu.memory_space<vmem>> -> memref<128xi32, #tpu.memory_space<vmem>>
      %dma_start3A_277 = arith.constant 0 : i32
      %dma_start3A_278 = arith.constant 0 : i32
      %dma_start3A_279 = tpu.memref_slice %arg11[%dma_start3A_277, %dma_start3A_278] : memref<10240x64xf32, #tpu.memory_space<vmem_shared>> -> memref<10240x64xf32, #tpu.memory_space<vmem_shared>>
      tpu.enqueue_indirect_dma source(%arg9 : memref<128x64xf32, #tpu.memory_space<vmem>>) target(%dma_start3A_279 : memref<10240x64xf32, #tpu.memory_space<vmem_shared>>) offsets(%dma_start3A_276 : memref<128xi32, #tpu.memory_space<vmem>>) semaphore(%arg18 : memref<!tpu.dma_semaphore, #tpu.memory_space<semaphore_mem>>) {add = true}
      %add3A_280 = arith.constant 3 : i32
      %add3A_281 = arith.addi %mul3A_231, %add3A_280 : i32
      %dma_wait3A_282 = arith.constant 0 : i32
      %dma_wait3A_283 = tpu.memref_slice %arg5[%add3A_281, %dma_wait3A_282] : memref<79x128xi32, #tpu.memory_space<vmem>> -> memref<1x128xi32, #tpu.memory_space<vmem>>
      %dma_wait3A_284 = tpu.memref_squeeze %dma_wait3A_283 : memref<1x128xi32, #tpu.memory_space<vmem>> -> memref<128xi32, #tpu.memory_space<vmem>>
      %dma_wait3A_285 = arith.constant 0 : i32
      %dma_wait3A_286 = arith.constant 0 : i32
      %dma_wait3A_287 = tpu.memref_slice %arg2[%dma_wait3A_285, %dma_wait3A_286] : memref<10000x64xf32, #tpu.memory_space<hbm>> -> memref<10000x64xf32, #tpu.memory_space<hbm>>
      tpu.wait_indirect_dma semaphore(%arg15 : memref<!tpu.dma_semaphore, #tpu.memory_space<semaphore_mem>>) src(%dma_wait3A_287 : memref<10000x64xf32, #tpu.memory_space<hbm>>) dst(%arg10 : memref<128x64xf32, #tpu.memory_space<vmem>>)
      %add3A_288 = arith.constant 3 : i32
      %add3A_289 = arith.addi %mul3A_231, %add3A_288 : i32
      %dma_start3A_290 = arith.constant 0 : i32
      %dma_start3A_291 = tpu.memref_slice %arg6[%add3A_289, %dma_start3A_290] : memref<79x128xi32, #tpu.memory_space<vmem>> -> memref<1x128xi32, #tpu.memory_space<vmem>>
      %dma_start3A_292 = tpu.memref_squeeze %dma_start3A_291 : memref<1x128xi32, #tpu.memory_space<vmem>> -> memref<128xi32, #tpu.memory_space<vmem>>
      %dma_start3A_293 = arith.constant 0 : i32
      %dma_start3A_294 = arith.constant 0 : i32
      %dma_start3A_295 = tpu.memref_slice %arg11[%dma_start3A_293, %dma_start3A_294] : memref<10240x64xf32, #tpu.memory_space<vmem_shared>> -> memref<10240x64xf32, #tpu.memory_space<vmem_shared>>
      tpu.enqueue_indirect_dma source(%arg10 : memref<128x64xf32, #tpu.memory_space<vmem>>) target(%dma_start3A_295 : memref<10240x64xf32, #tpu.memory_space<vmem_shared>>) offsets(%dma_start3A_292 : memref<128xi32, #tpu.memory_space<vmem>>) semaphore(%arg19 : memref<!tpu.dma_semaphore, #tpu.memory_space<semaphore_mem>>) {add = true}
      %add3A_296 = arith.constant 0 : i32
      %add3A_297 = arith.addi %mul3A_231, %add3A_296 : i32
      %dma_wait3A_298 = arith.constant 0 : i32
      %dma_wait3A_299 = tpu.memref_slice %arg6[%add3A_297, %dma_wait3A_298] : memref<79x128xi32, #tpu.memory_space<vmem>> -> memref<1x128xi32, #tpu.memory_space<vmem>>
      %dma_wait3A_300 = tpu.memref_squeeze %dma_wait3A_299 : memref<1x128xi32, #tpu.memory_space<vmem>> -> memref<128xi32, #tpu.memory_space<vmem>>
      %dma_wait3A_301 = arith.constant 0 : i32
      %dma_wait3A_302 = arith.constant 0 : i32
      %dma_wait3A_303 = tpu.memref_slice %arg11[%dma_wait3A_301, %dma_wait3A_302] : memref<10240x64xf32, #tpu.memory_space<vmem_shared>> -> memref<10240x64xf32, #tpu.memory_space<vmem_shared>>
      tpu.wait_indirect_dma semaphore(%arg16 : memref<!tpu.dma_semaphore, #tpu.memory_space<semaphore_mem>>) src(%arg7 : memref<128x64xf32, #tpu.memory_space<vmem>>) dst(%dma_wait3A_303 : memref<10240x64xf32, #tpu.memory_space<vmem_shared>>)
      %add3A_304 = arith.constant 4 : i32
      %add3A_305 = arith.addi %mul3A_231, %add3A_304 : i32
      %add3A_306 = arith.constant 0 : i32
      %add3A_307 = arith.addi %add3A_305, %add3A_306 : i32
      %sub3A_308 = arith.constant 1 : i32
      %sub3A_309 = arith.subi %add3A_9, %sub3A_308 : i32
      %min3A_310 = arith.minsi %add3A_307, %sub3A_309 : i32
      %dma_start3A_311 = arith.constant 0 : i32
      %dma_start3A_312 = tpu.memref_slice %arg5[%min3A_310, %dma_start3A_311] : memref<79x128xi32, #tpu.memory_space<vmem>> -> memref<1x128xi32, #tpu.memory_space<vmem>>
      %dma_start3A_313 = tpu.memref_squeeze %dma_start3A_312 : memref<1x128xi32, #tpu.memory_space<vmem>> -> memref<128xi32, #tpu.memory_space<vmem>>
      %dma_start3A_314 = arith.constant 0 : i32
      %dma_start3A_315 = arith.constant 0 : i32
      %dma_start3A_316 = tpu.memref_slice %arg2[%dma_start3A_314, %dma_start3A_315] : memref<10000x64xf32, #tpu.memory_space<hbm>> -> memref<10000x64xf32, #tpu.memory_space<hbm>>
      tpu.enqueue_indirect_dma source(%dma_start3A_316 : memref<10000x64xf32, #tpu.memory_space<hbm>>) target(%arg7 : memref<128x64xf32, #tpu.memory_space<vmem>>) offsets(%dma_start3A_313 : memref<128xi32, #tpu.memory_space<vmem>>) semaphore(%arg12 : memref<!tpu.dma_semaphore, #tpu.memory_space<semaphore_mem>>)
      %add3A_317 = arith.constant 1 : i32
      %add3A_318 = arith.addi %mul3A_231, %add3A_317 : i32
      %dma_wait3A_319 = arith.constant 0 : i32
      %dma_wait3A_320 = tpu.memref_slice %arg6[%add3A_318, %dma_wait3A_319] : memref<79x128xi32, #tpu.memory_space<vmem>> -> memref<1x128xi32, #tpu.memory_space<vmem>>
      %dma_wait3A_321 = tpu.memref_squeeze %dma_wait3A_320 : memref<1x128xi32, #tpu.memory_space<vmem>> -> memref<128xi32, #tpu.memory_space<vmem>>
      %dma_wait3A_322 = arith.constant 0 : i32
      %dma_wait3A_323 = arith.constant 0 : i32
      %dma_wait3A_324 = tpu.memref_slice %arg11[%dma_wait3A_322, %dma_wait3A_323] : memref<10240x64xf32, #tpu.memory_space<vmem_shared>> -> memref<10240x64xf32, #tpu.memory_space<vmem_shared>>
      tpu.wait_indirect_dma semaphore(%arg17 : memref<!tpu.dma_semaphore, #tpu.memory_space<semaphore_mem>>) src(%arg8 : memref<128x64xf32, #tpu.memory_space<vmem>>) dst(%dma_wait3A_324 : memref<10240x64xf32, #tpu.memory_space<vmem_shared>>)
      %add3A_325 = arith.constant 4 : i32
      %add3A_326 = arith.addi %mul3A_231, %add3A_325 : i32
      %add3A_327 = arith.constant 1 : i32
      %add3A_328 = arith.addi %add3A_326, %add3A_327 : i32
      %sub3A_329 = arith.constant 1 : i32
      %sub3A_330 = arith.subi %add3A_9, %sub3A_329 : i32
      %min3A_331 = arith.minsi %add3A_328, %sub3A_330 : i32
      %dma_start3A_332 = arith.constant 0 : i32
      %dma_start3A_333 = tpu.memref_slice %arg5[%min3A_331, %dma_start3A_332] : memref<79x128xi32, #tpu.memory_space<vmem>> -> memref<1x128xi32, #tpu.memory_space<vmem>>
      %dma_start3A_334 = tpu.memref_squeeze %dma_start3A_333 : memref<1x128xi32, #tpu.memory_space<vmem>> -> memref<128xi32, #tpu.memory_space<vmem>>
      %dma_start3A_335 = arith.constant 0 : i32
      %dma_start3A_336 = arith.constant 0 : i32
      %dma_start3A_337 = tpu.memref_slice %arg2[%dma_start3A_335, %dma_start3A_336] : memref<10000x64xf32, #tpu.memory_space<hbm>> -> memref<10000x64xf32, #tpu.memory_space<hbm>>
      tpu.enqueue_indirect_dma source(%dma_start3A_337 : memref<10000x64xf32, #tpu.memory_space<hbm>>) target(%arg8 : memref<128x64xf32, #tpu.memory_space<vmem>>) offsets(%dma_start3A_334 : memref<128xi32, #tpu.memory_space<vmem>>) semaphore(%arg13 : memref<!tpu.dma_semaphore, #tpu.memory_space<semaphore_mem>>)
      %add3A_338 = arith.constant 2 : i32
      %add3A_339 = arith.addi %mul3A_231, %add3A_338 : i32
      %dma_wait3A_340 = arith.constant 0 : i32
      %dma_wait3A_341 = tpu.memref_slice %arg6[%add3A_339, %dma_wait3A_340] : memref<79x128xi32, #tpu.memory_space<vmem>> -> memref<1x128xi32, #tpu.memory_space<vmem>>
      %dma_wait3A_342 = tpu.memref_squeeze %dma_wait3A_341 : memref<1x128xi32, #tpu.memory_space<vmem>> -> memref<128xi32, #tpu.memory_space<vmem>>
      %dma_wait3A_343 = arith.constant 0 : i32
      %dma_wait3A_344 = arith.constant 0 : i32
      %dma_wait3A_345 = tpu.memref_slice %arg11[%dma_wait3A_343, %dma_wait3A_344] : memref<10240x64xf32, #tpu.memory_space<vmem_shared>> -> memref<10240x64xf32, #tpu.memory_space<vmem_shared>>
      tpu.wait_indirect_dma semaphore(%arg18 : memref<!tpu.dma_semaphore, #tpu.memory_space<semaphore_mem>>) src(%arg9 : memref<128x64xf32, #tpu.memory_space<vmem>>) dst(%dma_wait3A_345 : memref<10240x64xf32, #tpu.memory_space<vmem_shared>>)
      %add3A_346 = arith.constant 4 : i32
      %add3A_347 = arith.addi %mul3A_231, %add3A_346 : i32
      %add3A_348 = arith.constant 2 : i32
      %add3A_349 = arith.addi %add3A_347, %add3A_348 : i32
      %sub3A_350 = arith.constant 1 : i32
      %sub3A_351 = arith.subi %add3A_9, %sub3A_350 : i32
      %min3A_352 = arith.minsi %add3A_349, %sub3A_351 : i32
      %dma_start3A_353 = arith.constant 0 : i32
      %dma_start3A_354 = tpu.memref_slice %arg5[%min3A_352, %dma_start3A_353] : memref<79x128xi32, #tpu.memory_space<vmem>> -> memref<1x128xi32, #tpu.memory_space<vmem>>
      %dma_start3A_355 = tpu.memref_squeeze %dma_start3A_354 : memref<1x128xi32, #tpu.memory_space<vmem>> -> memref<128xi32, #tpu.memory_space<vmem>>
      %dma_start3A_356 = arith.constant 0 : i32
      %dma_start3A_357 = arith.constant 0 : i32
      %dma_start3A_358 = tpu.memref_slice %arg2[%dma_start3A_356, %dma_start3A_357] : memref<10000x64xf32, #tpu.memory_space<hbm>> -> memref<10000x64xf32, #tpu.memory_space<hbm>>
      tpu.enqueue_indirect_dma source(%dma_start3A_358 : memref<10000x64xf32, #tpu.memory_space<hbm>>) target(%arg9 : memref<128x64xf32, #tpu.memory_space<vmem>>) offsets(%dma_start3A_355 : memref<128xi32, #tpu.memory_space<vmem>>) semaphore(%arg14 : memref<!tpu.dma_semaphore, #tpu.memory_space<semaphore_mem>>)
      %add3A_359 = arith.constant 3 : i32
      %add3A_360 = arith.addi %mul3A_231, %add3A_359 : i32
      %dma_wait3A_361 = arith.constant 0 : i32
      %dma_wait3A_362 = tpu.memref_slice %arg6[%add3A_360, %dma_wait3A_361] : memref<79x128xi32, #tpu.memory_space<vmem>> -> memref<1x128xi32, #tpu.memory_space<vmem>>
      %dma_wait3A_363 = tpu.memref_squeeze %dma_wait3A_362 : memref<1x128xi32, #tpu.memory_space<vmem>> -> memref<128xi32, #tpu.memory_space<vmem>>
      %dma_wait3A_364 = arith.constant 0 : i32
      %dma_wait3A_365 = arith.constant 0 : i32
      %dma_wait3A_366 = tpu.memref_slice %arg11[%dma_wait3A_364, %dma_wait3A_365] : memref<10240x64xf32, #tpu.memory_space<vmem_shared>> -> memref<10240x64xf32, #tpu.memory_space<vmem_shared>>
      tpu.wait_indirect_dma semaphore(%arg19 : memref<!tpu.dma_semaphore, #tpu.memory_space<semaphore_mem>>) src(%arg10 : memref<128x64xf32, #tpu.memory_space<vmem>>) dst(%dma_wait3A_366 : memref<10240x64xf32, #tpu.memory_space<vmem_shared>>)
      %add3A_367 = arith.constant 4 : i32
      %add3A_368 = arith.addi %mul3A_231, %add3A_367 : i32
      %add3A_369 = arith.constant 3 : i32
      %add3A_370 = arith.addi %add3A_368, %add3A_369 : i32
      %sub3A_371 = arith.constant 1 : i32
      %sub3A_372 = arith.subi %add3A_9, %sub3A_371 : i32
      %min3A_373 = arith.minsi %add3A_370, %sub3A_372 : i32
      %dma_start3A_374 = arith.constant 0 : i32
      %dma_start3A_375 = tpu.memref_slice %arg5[%min3A_373, %dma_start3A_374] : memref<79x128xi32, #tpu.memory_space<vmem>> -> memref<1x128xi32, #tpu.memory_space<vmem>>
      %dma_start3A_376 = tpu.memref_squeeze %dma_start3A_375 : memref<1x128xi32, #tpu.memory_space<vmem>> -> memref<128xi32, #tpu.memory_space<vmem>>
      %dma_start3A_377 = arith.constant 0 : i32
      %dma_start3A_378 = arith.constant 0 : i32
      %dma_start3A_379 = tpu.memref_slice %arg2[%dma_start3A_377, %dma_start3A_378] : memref<10000x64xf32, #tpu.memory_space<hbm>> -> memref<10000x64xf32, #tpu.memory_space<hbm>>
      tpu.enqueue_indirect_dma source(%dma_start3A_379 : memref<10000x64xf32, #tpu.memory_space<hbm>>) target(%arg10 : memref<128x64xf32, #tpu.memory_space<vmem>>) offsets(%dma_start3A_376 : memref<128xi32, #tpu.memory_space<vmem>>) semaphore(%arg15 : memref<!tpu.dma_semaphore, #tpu.memory_space<semaphore_mem>>)
    }
    %while3A_119 = arith.constant 1 : i32
    scf.for %while3A_229 = %while3A_117 to %while3A_113 step %while3A_119  : i32 {
      %mul3A_230 = arith.constant 4 : i32
      %mul3A_231 = arith.muli %while3A_229, %mul3A_230 : i32
      %add3A_232 = arith.constant 0 : i32
      %add3A_233 = arith.addi %mul3A_231, %add3A_232 : i32
      %dma_wait3A_234 = arith.constant 0 : i32
      %dma_wait3A_235 = tpu.memref_slice %arg5[%add3A_233, %dma_wait3A_234] : memref<79x128xi32, #tpu.memory_space<vmem>> -> memref<1x128xi32, #tpu.memory_space<vmem>>
      %dma_wait3A_236 = tpu.memref_squeeze %dma_wait3A_235 : memref<1x128xi32, #tpu.memory_space<vmem>> -> memref<128xi32, #tpu.memory_space<vmem>>
      %dma_wait3A_237 = arith.constant 0 : i32
      %dma_wait3A_238 = arith.constant 0 : i32
      %dma_wait3A_239 = tpu.memref_slice %arg2[%dma_wait3A_237, %dma_wait3A_238] : memref<10000x64xf32, #tpu.memory_space<hbm>> -> memref<10000x64xf32, #tpu.memory_space<hbm>>
      tpu.wait_indirect_dma semaphore(%arg12 : memref<!tpu.dma_semaphore, #tpu.memory_space<semaphore_mem>>) src(%dma_wait3A_239 : memref<10000x64xf32, #tpu.memory_space<hbm>>) dst(%arg7 : memref<128x64xf32, #tpu.memory_space<vmem>>)
      %add3A_240 = arith.constant 0 : i32
      %add3A_241 = arith.addi %mul3A_231, %add3A_240 : i32
      %dma_start3A_242 = arith.constant 0 : i32
      %dma_start3A_243 = tpu.memref_slice %arg6[%add3A_241, %dma_start3A_242] : memref<79x128xi32, #tpu.memory_space<vmem>> -> memref<1x128xi32, #tpu.memory_space<vmem>>
      %dma_start3A_244 = tpu.memref_squeeze %dma_start3A_243 : memref<1x128xi32, #tpu.memory_space<vmem>> -> memref<128xi32, #tpu.memory_space<vmem>>
      %dma_start3A_245 = arith.constant 0 : i32
      %dma_start3A_246 = arith.constant 0 : i32
      %dma_start3A_247 = tpu.memref_slice %arg11[%dma_start3A_245, %dma_start3A_246] : memref<10240x64xf32, #tpu.memory_space<vmem_shared>> -> memref<10240x64xf32, #tpu.memory_space<vmem_shared>>
      tpu.enqueue_indirect_dma source(%arg7 : memref<128x64xf32, #tpu.memory_space<vmem>>) target(%dma_start3A_247 : memref<10240x64xf32, #tpu.memory_space<vmem_shared>>) offsets(%dma_start3A_244 : memref<128xi32, #tpu.memory_space<vmem>>) semaphore(%arg16 : memref<!tpu.dma_semaphore, #tpu.memory_space<semaphore_mem>>) {add = true}
      %add3A_248 = arith.constant 1 : i32
      %add3A_249 = arith.addi %mul3A_231, %add3A_248 : i32
      %dma_wait3A_250 = arith.constant 0 : i32
      %dma_wait3A_251 = tpu.memref_slice %arg5[%add3A_249, %dma_wait3A_250] : memref<79x128xi32, #tpu.memory_space<vmem>> -> memref<1x128xi32, #tpu.memory_space<vmem>>
      %dma_wait3A_252 = tpu.memref_squeeze %dma_wait3A_251 : memref<1x128xi32, #tpu.memory_space<vmem>> -> memref<128xi32, #tpu.memory_space<vmem>>
      %dma_wait3A_253 = arith.constant 0 : i32
      %dma_wait3A_254 = arith.constant 0 : i32
      %dma_wait3A_255 = tpu.memref_slice %arg2[%dma_wait3A_253, %dma_wait3A_254] : memref<10000x64xf32, #tpu.memory_space<hbm>> -> memref<10000x64xf32, #tpu.memory_space<hbm>>
      tpu.wait_indirect_dma semaphore(%arg13 : memref<!tpu.dma_semaphore, #tpu.memory_space<semaphore_mem>>) src(%dma_wait3A_255 : memref<10000x64xf32, #tpu.memory_space<hbm>>) dst(%arg8 : memref<128x64xf32, #tpu.memory_space<vmem>>)
      %add3A_256 = arith.constant 1 : i32
      %add3A_257 = arith.addi %mul3A_231, %add3A_256 : i32
      %dma_start3A_258 = arith.constant 0 : i32
      %dma_start3A_259 = tpu.memref_slice %arg6[%add3A_257, %dma_start3A_258] : memref<79x128xi32, #tpu.memory_space<vmem>> -> memref<1x128xi32, #tpu.memory_space<vmem>>
      %dma_start3A_260 = tpu.memref_squeeze %dma_start3A_259 : memref<1x128xi32, #tpu.memory_space<vmem>> -> memref<128xi32, #tpu.memory_space<vmem>>
      %dma_start3A_261 = arith.constant 0 : i32
      %dma_start3A_262 = arith.constant 0 : i32
      %dma_start3A_263 = tpu.memref_slice %arg11[%dma_start3A_261, %dma_start3A_262] : memref<10240x64xf32, #tpu.memory_space<vmem_shared>> -> memref<10240x64xf32, #tpu.memory_space<vmem_shared>>
      tpu.enqueue_indirect_dma source(%arg8 : memref<128x64xf32, #tpu.memory_space<vmem>>) target(%dma_start3A_263 : memref<10240x64xf32, #tpu.memory_space<vmem_shared>>) offsets(%dma_start3A_260 : memref<128xi32, #tpu.memory_space<vmem>>) semaphore(%arg17 : memref<!tpu.dma_semaphore, #tpu.memory_space<semaphore_mem>>) {add = true}
      %add3A_264 = arith.constant 2 : i32
      %add3A_265 = arith.addi %mul3A_231, %add3A_264 : i32
      %dma_wait3A_266 = arith.constant 0 : i32
      %dma_wait3A_267 = tpu.memref_slice %arg5[%add3A_265, %dma_wait3A_266] : memref<79x128xi32, #tpu.memory_space<vmem>> -> memref<1x128xi32, #tpu.memory_space<vmem>>
      %dma_wait3A_268 = tpu.memref_squeeze %dma_wait3A_267 : memref<1x128xi32, #tpu.memory_space<vmem>> -> memref<128xi32, #tpu.memory_space<vmem>>
      %dma_wait3A_269 = arith.constant 0 : i32
      %dma_wait3A_270 = arith.constant 0 : i32
      %dma_wait3A_271 = tpu.memref_slice %arg2[%dma_wait3A_269, %dma_wait3A_270] : memref<10000x64xf32, #tpu.memory_space<hbm>> -> memref<10000x64xf32, #tpu.memory_space<hbm>>
      tpu.wait_indirect_dma semaphore(%arg14 : memref<!tpu.dma_semaphore, #tpu.memory_space<semaphore_mem>>) src(%dma_wait3A_271 : memref<10000x64xf32, #tpu.memory_space<hbm>>) dst(%arg9 : memref<128x64xf32, #tpu.memory_space<vmem>>)
      %add3A_272 = arith.constant 2 : i32
      %add3A_273 = arith.addi %mul3A_231, %add3A_272 : i32
      %dma_start3A_274 = arith.constant 0 : i32
      %dma_start3A_275 = tpu.memref_slice %arg6[%add3A_273, %dma_start3A_274] : memref<79x128xi32, #tpu.memory_space<vmem>> -> memref<1x128xi32, #tpu.memory_space<vmem>>
      %dma_start3A_276 = tpu.memref_squeeze %dma_start3A_275 : memref<1x128xi32, #tpu.memory_space<vmem>> -> memref<128xi32, #tpu.memory_space<vmem>>
      %dma_start3A_277 = arith.constant 0 : i32
      %dma_start3A_278 = arith.constant 0 : i32
      %dma_start3A_279 = tpu.memref_slice %arg11[%dma_start3A_277, %dma_start3A_278] : memref<10240x64xf32, #tpu.memory_space<vmem_shared>> -> memref<10240x64xf32, #tpu.memory_space<vmem_shared>>
      tpu.enqueue_indirect_dma source(%arg9 : memref<128x64xf32, #tpu.memory_space<vmem>>) target(%dma_start3A_279 : memref<10240x64xf32, #tpu.memory_space<vmem_shared>>) offsets(%dma_start3A_276 : memref<128xi32, #tpu.memory_space<vmem>>) semaphore(%arg18 : memref<!tpu.dma_semaphore, #tpu.memory_space<semaphore_mem>>) {add = true}
      %add3A_280 = arith.constant 3 : i32
      %add3A_281 = arith.addi %mul3A_231, %add3A_280 : i32
      %dma_wait3A_282 = arith.constant 0 : i32
      %dma_wait3A_283 = tpu.memref_slice %arg5[%add3A_281, %dma_wait3A_282] : memref<79x128xi32, #tpu.memory_space<vmem>> -> memref<1x128xi32, #tpu.memory_space<vmem>>
      %dma_wait3A_284 = tpu.memref_squeeze %dma_wait3A_283 : memref<1x128xi32, #tpu.memory_space<vmem>> -> memref<128xi32, #tpu.memory_space<vmem>>
      %dma_wait3A_285 = arith.constant 0 : i32
      %dma_wait3A_286 = arith.constant 0 : i32
      %dma_wait3A_287 = tpu.memref_slice %arg2[%dma_wait3A_285, %dma_wait3A_286] : memref<10000x64xf32, #tpu.memory_space<hbm>> -> memref<10000x64xf32, #tpu.memory_space<hbm>>
      tpu.wait_indirect_dma semaphore(%arg15 : memref<!tpu.dma_semaphore, #tpu.memory_space<semaphore_mem>>) src(%dma_wait3A_287 : memref<10000x64xf32, #tpu.memory_space<hbm>>) dst(%arg10 : memref<128x64xf32, #tpu.memory_space<vmem>>)
      %add3A_288 = arith.constant 3 : i32
      %add3A_289 = arith.addi %mul3A_231, %add3A_288 : i32
      %dma_start3A_290 = arith.constant 0 : i32
      %dma_start3A_291 = tpu.memref_slice %arg6[%add3A_289, %dma_start3A_290] : memref<79x128xi32, #tpu.memory_space<vmem>> -> memref<1x128xi32, #tpu.memory_space<vmem>>
      %dma_start3A_292 = tpu.memref_squeeze %dma_start3A_291 : memref<1x128xi32, #tpu.memory_space<vmem>> -> memref<128xi32, #tpu.memory_space<vmem>>
      %dma_start3A_293 = arith.constant 0 : i32
      %dma_start3A_294 = arith.constant 0 : i32
      %dma_start3A_295 = tpu.memref_slice %arg11[%dma_start3A_293, %dma_start3A_294] : memref<10240x64xf32, #tpu.memory_space<vmem_shared>> -> memref<10240x64xf32, #tpu.memory_space<vmem_shared>>
      tpu.enqueue_indirect_dma source(%arg10 : memref<128x64xf32, #tpu.memory_space<vmem>>) target(%dma_start3A_295 : memref<10240x64xf32, #tpu.memory_space<vmem_shared>>) offsets(%dma_start3A_292 : memref<128xi32, #tpu.memory_space<vmem>>) semaphore(%arg19 : memref<!tpu.dma_semaphore, #tpu.memory_space<semaphore_mem>>) {add = true}
      %add3A_296 = arith.constant 0 : i32
      %add3A_297 = arith.addi %mul3A_231, %add3A_296 : i32
      %dma_wait3A_298 = arith.constant 0 : i32
      %dma_wait3A_299 = tpu.memref_slice %arg6[%add3A_297, %dma_wait3A_298] : memref<79x128xi32, #tpu.memory_space<vmem>> -> memref<1x128xi32, #tpu.memory_space<vmem>>
      %dma_wait3A_300 = tpu.memref_squeeze %dma_wait3A_299 : memref<1x128xi32, #tpu.memory_space<vmem>> -> memref<128xi32, #tpu.memory_space<vmem>>
      %dma_wait3A_301 = arith.constant 0 : i32
      %dma_wait3A_302 = arith.constant 0 : i32
      %dma_wait3A_303 = tpu.memref_slice %arg11[%dma_wait3A_301, %dma_wait3A_302] : memref<10240x64xf32, #tpu.memory_space<vmem_shared>> -> memref<10240x64xf32, #tpu.memory_space<vmem_shared>>
      tpu.wait_indirect_dma semaphore(%arg16 : memref<!tpu.dma_semaphore, #tpu.memory_space<semaphore_mem>>) src(%arg7 : memref<128x64xf32, #tpu.memory_space<vmem>>) dst(%dma_wait3A_303 : memref<10240x64xf32, #tpu.memory_space<vmem_shared>>)
      %add3A_304 = arith.constant 4 : i32
      %add3A_305 = arith.addi %mul3A_231, %add3A_304 : i32
      %add3A_306 = arith.constant 0 : i32
      %add3A_307 = arith.addi %add3A_305, %add3A_306 : i32
      %sub3A_308 = arith.constant 1 : i32
      %sub3A_309 = arith.subi %add3A_9, %sub3A_308 : i32
      %min3A_310 = arith.minsi %add3A_307, %sub3A_309 : i32
      %dma_start3A_311 = arith.constant 0 : i32
      %dma_start3A_312 = tpu.memref_slice %arg5[%min3A_310, %dma_start3A_311] : memref<79x128xi32, #tpu.memory_space<vmem>> -> memref<1x128xi32, #tpu.memory_space<vmem>>
      %dma_start3A_313 = tpu.memref_squeeze %dma_start3A_312 : memref<1x128xi32, #tpu.memory_space<vmem>> -> memref<128xi32, #tpu.memory_space<vmem>>
      %dma_start3A_314 = arith.constant 0 : i32
      %dma_start3A_315 = arith.constant 0 : i32
      %dma_start3A_316 = tpu.memref_slice %arg2[%dma_start3A_314, %dma_start3A_315] : memref<10000x64xf32, #tpu.memory_space<hbm>> -> memref<10000x64xf32, #tpu.memory_space<hbm>>
      tpu.enqueue_indirect_dma source(%dma_start3A_316 : memref<10000x64xf32, #tpu.memory_space<hbm>>) target(%arg7 : memref<128x64xf32, #tpu.memory_space<vmem>>) offsets(%dma_start3A_313 : memref<128xi32, #tpu.memory_space<vmem>>) semaphore(%arg12 : memref<!tpu.dma_semaphore, #tpu.memory_space<semaphore_mem>>)
      %add3A_317 = arith.constant 1 : i32
      %add3A_318 = arith.addi %mul3A_231, %add3A_317 : i32
      %dma_wait3A_319 = arith.constant 0 : i32
      %dma_wait3A_320 = tpu.memref_slice %arg6[%add3A_318, %dma_wait3A_319] : memref<79x128xi32, #tpu.memory_space<vmem>> -> memref<1x128xi32, #tpu.memory_space<vmem>>
      %dma_wait3A_321 = tpu.memref_squeeze %dma_wait3A_320 : memref<1x128xi32, #tpu.memory_space<vmem>> -> memref<128xi32, #tpu.memory_space<vmem>>
      %dma_wait3A_322 = arith.constant 0 : i32
      %dma_wait3A_323 = arith.constant 0 : i32
      %dma_wait3A_324 = tpu.memref_slice %arg11[%dma_wait3A_322, %dma_wait3A_323] : memref<10240x64xf32, #tpu.memory_space<vmem_shared>> -> memref<10240x64xf32, #tpu.memory_space<vmem_shared>>
      tpu.wait_indirect_dma semaphore(%arg17 : memref<!tpu.dma_semaphore, #tpu.memory_space<semaphore_mem>>) src(%arg8 : memref<128x64xf32, #tpu.memory_space<vmem>>) dst(%dma_wait3A_324 : memref<10240x64xf32, #tpu.memory_space<vmem_shared>>)
      %add3A_325 = arith.constant 4 : i32
      %add3A_326 = arith.addi %mul3A_231, %add3A_325 : i32
      %add3A_327 = arith.constant 1 : i32
      %add3A_328 = arith.addi %add3A_326, %add3A_327 : i32
      %sub3A_329 = arith.constant 1 : i32
      %sub3A_330 = arith.subi %add3A_9, %sub3A_329 : i32
      %min3A_331 = arith.minsi %add3A_328, %sub3A_330 : i32
      %dma_start3A_332 = arith.constant 0 : i32
      %dma_start3A_333 = tpu.memref_slice %arg5[%min3A_331, %dma_start3A_332] : memref<79x128xi32, #tpu.memory_space<vmem>> -> memref<1x128xi32, #tpu.memory_space<vmem>>
      %dma_start3A_334 = tpu.memref_squeeze %dma_start3A_333 : memref<1x128xi32, #tpu.memory_space<vmem>> -> memref<128xi32, #tpu.memory_space<vmem>>
      %dma_start3A_335 = arith.constant 0 : i32
      %dma_start3A_336 = arith.constant 0 : i32
      %dma_start3A_337 = tpu.memref_slice %arg2[%dma_start3A_335, %dma_start3A_336] : memref<10000x64xf32, #tpu.memory_space<hbm>> -> memref<10000x64xf32, #tpu.memory_space<hbm>>
      tpu.enqueue_indirect_dma source(%dma_start3A_337 : memref<10000x64xf32, #tpu.memory_space<hbm>>) target(%arg8 : memref<128x64xf32, #tpu.memory_space<vmem>>) offsets(%dma_start3A_334 : memref<128xi32, #tpu.memory_space<vmem>>) semaphore(%arg13 : memref<!tpu.dma_semaphore, #tpu.memory_space<semaphore_mem>>)
      %add3A_338 = arith.constant 2 : i32
      %add3A_339 = arith.addi %mul3A_231, %add3A_338 : i32
      %dma_wait3A_340 = arith.constant 0 : i32
      %dma_wait3A_341 = tpu.memref_slice %arg6[%add3A_339, %dma_wait3A_340] : memref<79x128xi32, #tpu.memory_space<vmem>> -> memref<1x128xi32, #tpu.memory_space<vmem>>
      %dma_wait3A_342 = tpu.memref_squeeze %dma_wait3A_341 : memref<1x128xi32, #tpu.memory_space<vmem>> -> memref<128xi32, #tpu.memory_space<vmem>>
      %dma_wait3A_343 = arith.constant 0 : i32
      %dma_wait3A_344 = arith.constant 0 : i32
      %dma_wait3A_345 = tpu.memref_slice %arg11[%dma_wait3A_343, %dma_wait3A_344] : memref<10240x64xf32, #tpu.memory_space<vmem_shared>> -> memref<10240x64xf32, #tpu.memory_space<vmem_shared>>
      tpu.wait_indirect_dma semaphore(%arg18 : memref<!tpu.dma_semaphore, #tpu.memory_space<semaphore_mem>>) src(%arg9 : memref<128x64xf32, #tpu.memory_space<vmem>>) dst(%dma_wait3A_345 : memref<10240x64xf32, #tpu.memory_space<vmem_shared>>)
      %add3A_346 = arith.constant 4 : i32
      %add3A_347 = arith.addi %mul3A_231, %add3A_346 : i32
      %add3A_348 = arith.constant 2 : i32
      %add3A_349 = arith.addi %add3A_347, %add3A_348 : i32
      %sub3A_350 = arith.constant 1 : i32
      %sub3A_351 = arith.subi %add3A_9, %sub3A_350 : i32
      %min3A_352 = arith.minsi %add3A_349, %sub3A_351 : i32
      %dma_start3A_353 = arith.constant 0 : i32
      %dma_start3A_354 = tpu.memref_slice %arg5[%min3A_352, %dma_start3A_353] : memref<79x128xi32, #tpu.memory_space<vmem>> -> memref<1x128xi32, #tpu.memory_space<vmem>>
      %dma_start3A_355 = tpu.memref_squeeze %dma_start3A_354 : memref<1x128xi32, #tpu.memory_space<vmem>> -> memref<128xi32, #tpu.memory_space<vmem>>
      %dma_start3A_356 = arith.constant 0 : i32
      %dma_start3A_357 = arith.constant 0 : i32
      %dma_start3A_358 = tpu.memref_slice %arg2[%dma_start3A_356, %dma_start3A_357] : memref<10000x64xf32, #tpu.memory_space<hbm>> -> memref<10000x64xf32, #tpu.memory_space<hbm>>
      tpu.enqueue_indirect_dma source(%dma_start3A_358 : memref<10000x64xf32, #tpu.memory_space<hbm>>) target(%arg9 : memref<128x64xf32, #tpu.memory_space<vmem>>) offsets(%dma_start3A_355 : memref<128xi32, #tpu.memory_space<vmem>>) semaphore(%arg14 : memref<!tpu.dma_semaphore, #tpu.memory_space<semaphore_mem>>)
      %add3A_359 = arith.constant 3 : i32
      %add3A_360 = arith.addi %mul3A_231, %add3A_359 : i32
      %dma_wait3A_361 = arith.constant 0 : i32
      %dma_wait3A_362 = tpu.memref_slice %arg6[%add3A_360, %dma_wait3A_361] : memref<79x128xi32, #tpu.memory_space<vmem>> -> memref<1x128xi32, #tpu.memory_space<vmem>>
      %dma_wait3A_363 = tpu.memref_squeeze %dma_wait3A_362 : memref<1x128xi32, #tpu.memory_space<vmem>> -> memref<128xi32, #tpu.memory_space<vmem>>
      %dma_wait3A_364 = arith.constant 0 : i32
      %dma_wait3A_365 = arith.constant 0 : i32
      %dma_wait3A_366 = tpu.memref_slice %arg11[%dma_wait3A_364, %dma_wait3A_365] : memref<10240x64xf32, #tpu.memory_space<vmem_shared>> -> memref<10240x64xf32, #tpu.memory_space<vmem_shared>>
      tpu.wait_indirect_dma semaphore(%arg19 : memref<!tpu.dma_semaphore, #tpu.memory_space<semaphore_mem>>) src(%arg10 : memref<128x64xf32, #tpu.memory_space<vmem>>) dst(%dma_wait3A_366 : memref<10240x64xf32, #tpu.memory_space<vmem_shared>>)
      %add3A_367 = arith.constant 4 : i32
      %add3A_368 = arith.addi %mul3A_231, %add3A_367 : i32
      %add3A_369 = arith.constant 3 : i32
      %add3A_370 = arith.addi %add3A_368, %add3A_369 : i32
      %sub3A_371 = arith.constant 1 : i32
      %sub3A_372 = arith.subi %add3A_9, %sub3A_371 : i32
      %min3A_373 = arith.minsi %add3A_370, %sub3A_372 : i32
      %dma_start3A_374 = arith.constant 0 : i32
      %dma_start3A_375 = tpu.memref_slice %arg5[%min3A_373, %dma_start3A_374] : memref<79x128xi32, #tpu.memory_space<vmem>> -> memref<1x128xi32, #tpu.memory_space<vmem>>
      %dma_start3A_376 = tpu.memref_squeeze %dma_start3A_375 : memref<1x128xi32, #tpu.memory_space<vmem>> -> memref<128xi32, #tpu.memory_space<vmem>>
      %dma_start3A_377 = arith.constant 0 : i32
      %dma_start3A_378 = arith.constant 0 : i32
      %dma_start3A_379 = tpu.memref_slice %arg2[%dma_start3A_377, %dma_start3A_378] : memref<10000x64xf32, #tpu.memory_space<hbm>> -> memref<10000x64xf32, #tpu.memory_space<hbm>>
      tpu.enqueue_indirect_dma source(%dma_start3A_379 : memref<10000x64xf32, #tpu.memory_space<hbm>>) target(%arg10 : memref<128x64xf32, #tpu.memory_space<vmem>>) offsets(%dma_start3A_376 : memref<128xi32, #tpu.memory_space<vmem>>) semaphore(%arg15 : memref<!tpu.dma_semaphore, #tpu.memory_space<semaphore_mem>>)
    }
    %mul3A_120 = arith.constant 4 : i32
    %mul3A_121 = arith.muli %select_n3A_107, %mul3A_120 : i32
    %add3A_122 = arith.constant 0 : i32
    %add3A_123 = arith.addi %mul3A_121, %add3A_122 : i32
    %sub3A_124 = arith.constant 1 : i32
    %sub3A_125 = arith.subi %add3A_9, %sub3A_124 : i32
    %min3A = arith.minsi %add3A_123, %sub3A_125 : i32
    %dma_wait3A_126 = arith.constant 0 : i32
    %dma_wait3A_127 = tpu.memref_slice %arg5[%min3A, %dma_wait3A_126] : memref<79x128xi32, #tpu.memory_space<vmem>> -> memref<1x128xi32, #tpu.memory_space<vmem>>
    %dma_wait3A_128 = tpu.memref_squeeze %dma_wait3A_127 : memref<1x128xi32, #tpu.memory_space<vmem>> -> memref<128xi32, #tpu.memory_space<vmem>>
    %dma_wait3A_129 = arith.constant 0 : i32
    %dma_wait3A_130 = arith.constant 0 : i32
    %dma_wait3A_131 = tpu.memref_slice %arg2[%dma_wait3A_129, %dma_wait3A_130] : memref<10000x64xf32, #tpu.memory_space<hbm>> -> memref<10000x64xf32, #tpu.memory_space<hbm>>
    tpu.wait_indirect_dma semaphore(%arg12 : memref<!tpu.dma_semaphore, #tpu.memory_space<semaphore_mem>>) src(%dma_wait3A_131 : memref<10000x64xf32, #tpu.memory_space<hbm>>) dst(%arg7 : memref<128x64xf32, #tpu.memory_space<vmem>>)
    %gt3A = arith.constant 0 : i32
    %gt3A_132 = arith.cmpi sgt, %sub3A_110, %gt3A : i32
    %convert_element_type3A = arith.extui %gt3A_132 : i1 to i32
    %cond3A = arith.constant 0 : i32
    %cond3A_133 = arith.cmpi ne, %convert_element_type3A, %cond3A : i32
    scf.if %cond3A_133 {
      "tpu.region"() ({
        %run_scoped3A = tpu.sem_alloc : memref<!tpu.dma_semaphore, #tpu.memory_space<semaphore_mem>>
        %dma_start3A_229 = arith.constant 0 : i32
        %dma_start3A_230 = tpu.memref_slice %arg6[%add3A_123, %dma_start3A_229] : memref<79x128xi32, #tpu.memory_space<vmem>> -> memref<1x128xi32, #tpu.memory_space<vmem>>
        %dma_start3A_231 = tpu.memref_squeeze %dma_start3A_230 : memref<1x128xi32, #tpu.memory_space<vmem>> -> memref<128xi32, #tpu.memory_space<vmem>>
        %dma_start3A_232 = arith.constant 0 : i32
        %dma_start3A_233 = arith.constant 0 : i32
        %dma_start3A_234 = tpu.memref_slice %arg11[%dma_start3A_232, %dma_start3A_233] : memref<10240x64xf32, #tpu.memory_space<vmem_shared>> -> memref<10240x64xf32, #tpu.memory_space<vmem_shared>>
        tpu.enqueue_indirect_dma source(%arg7 : memref<128x64xf32, #tpu.memory_space<vmem>>) target(%dma_start3A_234 : memref<10240x64xf32, #tpu.memory_space<vmem_shared>>) offsets(%dma_start3A_231 : memref<128xi32, #tpu.memory_space<vmem>>) semaphore(%run_scoped3A : memref<!tpu.dma_semaphore, #tpu.memory_space<semaphore_mem>>) {add = true}
        %dma_wait3A_235 = arith.constant 0 : i32
        %dma_wait3A_236 = tpu.memref_slice %arg6[%add3A_123, %dma_wait3A_235] : memref<79x128xi32, #tpu.memory_space<vmem>> -> memref<1x128xi32, #tpu.memory_space<vmem>>
        %dma_wait3A_237 = tpu.memref_squeeze %dma_wait3A_236 : memref<1x128xi32, #tpu.memory_space<vmem>> -> memref<128xi32, #tpu.memory_space<vmem>>
        %dma_wait3A_238 = arith.constant 0 : i32
        %dma_wait3A_239 = arith.constant 0 : i32
        %dma_wait3A_240 = tpu.memref_slice %arg11[%dma_wait3A_238, %dma_wait3A_239] : memref<10240x64xf32, #tpu.memory_space<vmem_shared>> -> memref<10240x64xf32, #tpu.memory_space<vmem_shared>>
        tpu.wait_indirect_dma semaphore(%run_scoped3A : memref<!tpu.dma_semaphore, #tpu.memory_space<semaphore_mem>>) src(%arg7 : memref<128x64xf32, #tpu.memory_space<vmem>>) dst(%dma_wait3A_240 : memref<10240x64xf32, #tpu.memory_space<vmem_shared>>)
        tpu.yield
      }) : () -> ()
    } else {
    }
    %mul3A_134 = arith.constant 4 : i32
    %mul3A_135 = arith.muli %select_n3A_107, %mul3A_134 : i32
    %add3A_136 = arith.constant 1 : i32
    %add3A_137 = arith.addi %mul3A_135, %add3A_136 : i32
    %sub3A_138 = arith.constant 1 : i32
    %sub3A_139 = arith.subi %add3A_9, %sub3A_138 : i32
    %min3A_140 = arith.minsi %add3A_137, %sub3A_139 : i32
    %dma_wait3A_141 = arith.constant 0 : i32
    %dma_wait3A_142 = tpu.memref_slice %arg5[%min3A_140, %dma_wait3A_141] : memref<79x128xi32, #tpu.memory_space<vmem>> -> memref<1x128xi32, #tpu.memory_space<vmem>>
    %dma_wait3A_143 = tpu.memref_squeeze %dma_wait3A_142 : memref<1x128xi32, #tpu.memory_space<vmem>> -> memref<128xi32, #tpu.memory_space<vmem>>
    %dma_wait3A_144 = arith.constant 0 : i32
    %dma_wait3A_145 = arith.constant 0 : i32
    %dma_wait3A_146 = tpu.memref_slice %arg2[%dma_wait3A_144, %dma_wait3A_145] : memref<10000x64xf32, #tpu.memory_space<hbm>> -> memref<10000x64xf32, #tpu.memory_space<hbm>>
    tpu.wait_indirect_dma semaphore(%arg13 : memref<!tpu.dma_semaphore, #tpu.memory_space<semaphore_mem>>) src(%dma_wait3A_146 : memref<10000x64xf32, #tpu.memory_space<hbm>>) dst(%arg8 : memref<128x64xf32, #tpu.memory_space<vmem>>)
    %gt3A_147 = arith.constant 1 : i32
    %gt3A_148 = arith.cmpi sgt, %sub3A_110, %gt3A_147 : i32
    %convert_element_type3A_149 = arith.extui %gt3A_148 : i1 to i32
    %cond3A_150 = arith.constant 0 : i32
    %cond3A_151 = arith.cmpi ne, %convert_element_type3A_149, %cond3A_150 : i32
    scf.if %cond3A_151 {
      "tpu.region"() ({
        %run_scoped3A = tpu.sem_alloc : memref<!tpu.dma_semaphore, #tpu.memory_space<semaphore_mem>>
        %dma_start3A_229 = arith.constant 0 : i32
        %dma_start3A_230 = tpu.memref_slice %arg6[%add3A_137, %dma_start3A_229] : memref<79x128xi32, #tpu.memory_space<vmem>> -> memref<1x128xi32, #tpu.memory_space<vmem>>
        %dma_start3A_231 = tpu.memref_squeeze %dma_start3A_230 : memref<1x128xi32, #tpu.memory_space<vmem>> -> memref<128xi32, #tpu.memory_space<vmem>>
        %dma_start3A_232 = arith.constant 0 : i32
        %dma_start3A_233 = arith.constant 0 : i32
        %dma_start3A_234 = tpu.memref_slice %arg11[%dma_start3A_232, %dma_start3A_233] : memref<10240x64xf32, #tpu.memory_space<vmem_shared>> -> memref<10240x64xf32, #tpu.memory_space<vmem_shared>>
        tpu.enqueue_indirect_dma source(%arg8 : memref<128x64xf32, #tpu.memory_space<vmem>>) target(%dma_start3A_234 : memref<10240x64xf32, #tpu.memory_space<vmem_shared>>) offsets(%dma_start3A_231 : memref<128xi32, #tpu.memory_space<vmem>>) semaphore(%run_scoped3A : memref<!tpu.dma_semaphore, #tpu.memory_space<semaphore_mem>>) {add = true}
        %dma_wait3A_235 = arith.constant 0 : i32
        %dma_wait3A_236 = tpu.memref_slice %arg6[%add3A_137, %dma_wait3A_235] : memref<79x128xi32, #tpu.memory_space<vmem>> -> memref<1x128xi32, #tpu.memory_space<vmem>>
        %dma_wait3A_237 = tpu.memref_squeeze %dma_wait3A_236 : memref<1x128xi32, #tpu.memory_space<vmem>> -> memref<128xi32, #tpu.memory_space<vmem>>
        %dma_wait3A_238 = arith.constant 0 : i32
        %dma_wait3A_239 = arith.constant 0 : i32
        %dma_wait3A_240 = tpu.memref_slice %arg11[%dma_wait3A_238, %dma_wait3A_239] : memref<10240x64xf32, #tpu.memory_space<vmem_shared>> -> memref<10240x64xf32, #tpu.memory_space<vmem_shared>>
        tpu.wait_indirect_dma semaphore(%run_scoped3A : memref<!tpu.dma_semaphore, #tpu.memory_space<semaphore_mem>>) src(%arg8 : memref<128x64xf32, #tpu.memory_space<vmem>>) dst(%dma_wait3A_240 : memref<10240x64xf32, #tpu.memory_space<vmem_shared>>)
        tpu.yield
      }) : () -> ()
    } else {
    }
    %mul3A_152 = arith.constant 4 : i32
    %mul3A_153 = arith.muli %select_n3A_107, %mul3A_152 : i32
    %add3A_154 = arith.constant 2 : i32
    %add3A_155 = arith.addi %mul3A_153, %add3A_154 : i32
    %sub3A_156 = arith.constant 1 : i32
    %sub3A_157 = arith.subi %add3A_9, %sub3A_156 : i32
    %min3A_158 = arith.minsi %add3A_155, %sub3A_157 : i32
    %dma_wait3A_159 = arith.constant 0 : i32
    %dma_wait3A_160 = tpu.memref_slice %arg5[%min3A_158, %dma_wait3A_159] : memref<79x128xi32, #tpu.memory_space<vmem>> -> memref<1x128xi32, #tpu.memory_space<vmem>>
    %dma_wait3A_161 = tpu.memref_squeeze %dma_wait3A_160 : memref<1x128xi32, #tpu.memory_space<vmem>> -> memref<128xi32, #tpu.memory_space<vmem>>
    %dma_wait3A_162 = arith.constant 0 : i32
    %dma_wait3A_163 = arith.constant 0 : i32
    %dma_wait3A_164 = tpu.memref_slice %arg2[%dma_wait3A_162, %dma_wait3A_163] : memref<10000x64xf32, #tpu.memory_space<hbm>> -> memref<10000x64xf32, #tpu.memory_space<hbm>>
    tpu.wait_indirect_dma semaphore(%arg14 : memref<!tpu.dma_semaphore, #tpu.memory_space<semaphore_mem>>) src(%dma_wait3A_164 : memref<10000x64xf32, #tpu.memory_space<hbm>>) dst(%arg9 : memref<128x64xf32, #tpu.memory_space<vmem>>)
    %gt3A_165 = arith.constant 2 : i32
    %gt3A_166 = arith.cmpi sgt, %sub3A_110, %gt3A_165 : i32
    %convert_element_type3A_167 = arith.extui %gt3A_166 : i1 to i32
    %cond3A_168 = arith.constant 0 : i32
    %cond3A_169 = arith.cmpi ne, %convert_element_type3A_167, %cond3A_168 : i32
    scf.if %cond3A_169 {
      "tpu.region"() ({
        %run_scoped3A = tpu.sem_alloc : memref<!tpu.dma_semaphore, #tpu.memory_space<semaphore_mem>>
        %dma_start3A_229 = arith.constant 0 : i32
        %dma_start3A_230 = tpu.memref_slice %arg6[%add3A_155, %dma_start3A_229] : memref<79x128xi32, #tpu.memory_space<vmem>> -> memref<1x128xi32, #tpu.memory_space<vmem>>
        %dma_start3A_231 = tpu.memref_squeeze %dma_start3A_230 : memref<1x128xi32, #tpu.memory_space<vmem>> -> memref<128xi32, #tpu.memory_space<vmem>>
        %dma_start3A_232 = arith.constant 0 : i32
        %dma_start3A_233 = arith.constant 0 : i32
        %dma_start3A_234 = tpu.memref_slice %arg11[%dma_start3A_232, %dma_start3A_233] : memref<10240x64xf32, #tpu.memory_space<vmem_shared>> -> memref<10240x64xf32, #tpu.memory_space<vmem_shared>>
        tpu.enqueue_indirect_dma source(%arg9 : memref<128x64xf32, #tpu.memory_space<vmem>>) target(%dma_start3A_234 : memref<10240x64xf32, #tpu.memory_space<vmem_shared>>) offsets(%dma_start3A_231 : memref<128xi32, #tpu.memory_space<vmem>>) semaphore(%run_scoped3A : memref<!tpu.dma_semaphore, #tpu.memory_space<semaphore_mem>>) {add = true}
        %dma_wait3A_235 = arith.constant 0 : i32
        %dma_wait3A_236 = tpu.memref_slice %arg6[%add3A_155, %dma_wait3A_235] : memref<79x128xi32, #tpu.memory_space<vmem>> -> memref<1x128xi32, #tpu.memory_space<vmem>>
        %dma_wait3A_237 = tpu.memref_squeeze %dma_wait3A_236 : memref<1x128xi32, #tpu.memory_space<vmem>> -> memref<128xi32, #tpu.memory_space<vmem>>
        %dma_wait3A_238 = arith.constant 0 : i32
        %dma_wait3A_239 = arith.constant 0 : i32
        %dma_wait3A_240 = tpu.memref_slice %arg11[%dma_wait3A_238, %dma_wait3A_239] : memref<10240x64xf32, #tpu.memory_space<vmem_shared>> -> memref<10240x64xf32, #tpu.memory_space<vmem_shared>>
        tpu.wait_indirect_dma semaphore(%run_scoped3A : memref<!tpu.dma_semaphore, #tpu.memory_space<semaphore_mem>>) src(%arg9 : memref<128x64xf32, #tpu.memory_space<vmem>>) dst(%dma_wait3A_240 : memref<10240x64xf32, #tpu.memory_space<vmem_shared>>)
        tpu.yield
      }) : () -> ()
    } else {
    }
    %mul3A_170 = arith.constant 4 : i32
    %mul3A_171 = arith.muli %select_n3A_107, %mul3A_170 : i32
    %add3A_172 = arith.constant 3 : i32
    %add3A_173 = arith.addi %mul3A_171, %add3A_172 : i32
    %sub3A_174 = arith.constant 1 : i32
    %sub3A_175 = arith.subi %add3A_9, %sub3A_174 : i32
    %min3A_176 = arith.minsi %add3A_173, %sub3A_175 : i32
    %dma_wait3A_177 = arith.constant 0 : i32
    %dma_wait3A_178 = tpu.memref_slice %arg5[%min3A_176, %dma_wait3A_177] : memref<79x128xi32, #tpu.memory_space<vmem>> -> memref<1x128xi32, #tpu.memory_space<vmem>>
    %dma_wait3A_179 = tpu.memref_squeeze %dma_wait3A_178 : memref<1x128xi32, #tpu.memory_space<vmem>> -> memref<128xi32, #tpu.memory_space<vmem>>
    %dma_wait3A_180 = arith.constant 0 : i32
    %dma_wait3A_181 = arith.constant 0 : i32
    %dma_wait3A_182 = tpu.memref_slice %arg2[%dma_wait3A_180, %dma_wait3A_181] : memref<10000x64xf32, #tpu.memory_space<hbm>> -> memref<10000x64xf32, #tpu.memory_space<hbm>>
    tpu.wait_indirect_dma semaphore(%arg15 : memref<!tpu.dma_semaphore, #tpu.memory_space<semaphore_mem>>) src(%dma_wait3A_182 : memref<10000x64xf32, #tpu.memory_space<hbm>>) dst(%arg10 : memref<128x64xf32, #tpu.memory_space<vmem>>)
    %gt3A_183 = arith.constant 3 : i32
    %gt3A_184 = arith.cmpi sgt, %sub3A_110, %gt3A_183 : i32
    %convert_element_type3A_185 = arith.extui %gt3A_184 : i1 to i32
    %cond3A_186 = arith.constant 0 : i32
    %cond3A_187 = arith.cmpi ne, %convert_element_type3A_185, %cond3A_186 : i32
    scf.if %cond3A_187 {
      "tpu.region"() ({
        %run_scoped3A = tpu.sem_alloc : memref<!tpu.dma_semaphore, #tpu.memory_space<semaphore_mem>>
        %dma_start3A_229 = arith.constant 0 : i32
        %dma_start3A_230 = tpu.memref_slice %arg6[%add3A_173, %dma_start3A_229] : memref<79x128xi32, #tpu.memory_space<vmem>> -> memref<1x128xi32, #tpu.memory_space<vmem>>
        %dma_start3A_231 = tpu.memref_squeeze %dma_start3A_230 : memref<1x128xi32, #tpu.memory_space<vmem>> -> memref<128xi32, #tpu.memory_space<vmem>>
        %dma_start3A_232 = arith.constant 0 : i32
        %dma_start3A_233 = arith.constant 0 : i32
        %dma_start3A_234 = tpu.memref_slice %arg11[%dma_start3A_232, %dma_start3A_233] : memref<10240x64xf32, #tpu.memory_space<vmem_shared>> -> memref<10240x64xf32, #tpu.memory_space<vmem_shared>>
        tpu.enqueue_indirect_dma source(%arg10 : memref<128x64xf32, #tpu.memory_space<vmem>>) target(%dma_start3A_234 : memref<10240x64xf32, #tpu.memory_space<vmem_shared>>) offsets(%dma_start3A_231 : memref<128xi32, #tpu.memory_space<vmem>>) semaphore(%run_scoped3A : memref<!tpu.dma_semaphore, #tpu.memory_space<semaphore_mem>>) {add = true}
        %dma_wait3A_235 = arith.constant 0 : i32
        %dma_wait3A_236 = tpu.memref_slice %arg6[%add3A_173, %dma_wait3A_235] : memref<79x128xi32, #tpu.memory_space<vmem>> -> memref<1x128xi32, #tpu.memory_space<vmem>>
        %dma_wait3A_237 = tpu.memref_squeeze %dma_wait3A_236 : memref<1x128xi32, #tpu.memory_space<vmem>> -> memref<128xi32, #tpu.memory_space<vmem>>
        %dma_wait3A_238 = arith.constant 0 : i32
        %dma_wait3A_239 = arith.constant 0 : i32
        %dma_wait3A_240 = tpu.memref_slice %arg11[%dma_wait3A_238, %dma_wait3A_239] : memref<10240x64xf32, #tpu.memory_space<vmem_shared>> -> memref<10240x64xf32, #tpu.memory_space<vmem_shared>>
        tpu.wait_indirect_dma semaphore(%run_scoped3A : memref<!tpu.dma_semaphore, #tpu.memory_space<semaphore_mem>>) src(%arg10 : memref<128x64xf32, #tpu.memory_space<vmem>>) dst(%dma_wait3A_240 : memref<10240x64xf32, #tpu.memory_space<vmem_shared>>)
        tpu.yield
      }) : () -> ()
    } else {
    }
    %barrier3A_188 = arith.constant 0 : index
    tpu.barrier barrier_id(%barrier3A_188)
    %mul3A_189 = arith.constant 640 : i32
    %mul3A_190 = arith.muli %arg1, %mul3A_189 : i32
    %add3A_191 = arith.constant 0 : i32
    %add3A_192 = arith.addi %mul3A_190, %add3A_191 : i32
    "tpu.region"() ({
      %run_scoped3A = tpu.sem_alloc : memref<!tpu.dma_semaphore, #tpu.memory_space<semaphore_mem>>
      %dma_start3A_229 = arith.constant 0 : i32
      %dma_start3A_230 = tpu.memref_slice %arg11[%add3A_192, %dma_start3A_229] : memref<10240x64xf32, #tpu.memory_space<vmem_shared>> -> memref<128x64xf32, #tpu.memory_space<vmem_shared>>
      %dma_start3A_231 = arith.constant 0 : i32
      %dma_start3A_232 = tpu.memref_slice %arg11[%add3A_192, %dma_start3A_231] : memref<10240x64xf32, #tpu.memory_space<vmem_shared>> -> memref<128x64xf32, #tpu.memory_space<vmem_shared>>
      tpu.enqueue_dma source(%dma_start3A_232 : memref<128x64xf32, #tpu.memory_space<vmem_shared>>) target(%arg7 : memref<128x64xf32, #tpu.memory_space<vmem>>) target_semaphore(%run_scoped3A : memref<!tpu.dma_semaphore, #tpu.memory_space<semaphore_mem>>)
      %dma_wait3A_233 = arith.constant 0 : i32
      %dma_wait3A_234 = tpu.memref_slice %arg11[%add3A_192, %dma_wait3A_233] : memref<10240x64xf32, #tpu.memory_space<vmem_shared>> -> memref<128x64xf32, #tpu.memory_space<vmem_shared>>
      %dma_wait3A_235 = arith.constant 0 : i32
      %dma_wait3A_236 = tpu.memref_slice %arg11[%add3A_192, %dma_wait3A_235] : memref<10240x64xf32, #tpu.memory_space<vmem_shared>> -> memref<128x64xf32, #tpu.memory_space<vmem_shared>>
      tpu.wait_dma2 semaphore(%run_scoped3A : memref<!tpu.dma_semaphore, #tpu.memory_space<semaphore_mem>>) src(%dma_wait3A_236 : memref<128x64xf32, #tpu.memory_space<vmem_shared>>) dst(%arg7 : memref<128x64xf32, #tpu.memory_space<vmem>>)
      tpu.yield
    }) : () -> ()
    %mul3A_193 = arith.constant 640 : i32
    %mul3A_194 = arith.muli %arg1, %mul3A_193 : i32
    %add3A_195 = arith.constant 0 : i32
    %add3A_196 = arith.addi %mul3A_194, %add3A_195 : i32
    "tpu.region"() ({
      %run_scoped3A = tpu.sem_alloc : memref<!tpu.dma_semaphore, #tpu.memory_space<semaphore_mem>>
      %dma_start3A_229 = arith.constant 0 : i32
      %dma_start3A_230 = tpu.memref_slice %arg4[%arg0, %add3A_196, %dma_start3A_229] : memref<2x10240x64xf32, #tpu.memory_space<hbm>> -> memref<1x128x64xf32, #tpu.memory_space<hbm>>
      %dma_start3A_231 = tpu.memref_squeeze %dma_start3A_230 : memref<1x128x64xf32, #tpu.memory_space<hbm>> -> memref<128x64xf32, #tpu.memory_space<hbm>>
      %dma_start3A_232 = arith.constant 0 : i32
      %dma_start3A_233 = tpu.memref_slice %arg4[%arg0, %add3A_196, %dma_start3A_232] : memref<2x10240x64xf32, #tpu.memory_space<hbm>> -> memref<1x128x64xf32, #tpu.memory_space<hbm>>
      %dma_start3A_234 = tpu.memref_squeeze %dma_start3A_233 : memref<1x128x64xf32, #tpu.memory_space<hbm>> -> memref<128x64xf32, #tpu.memory_space<hbm>>
      tpu.enqueue_dma source(%arg7 : memref<128x64xf32, #tpu.memory_space<vmem>>) target(%dma_start3A_234 : memref<128x64xf32, #tpu.memory_space<hbm>>) target_semaphore(%run_scoped3A : memref<!tpu.dma_semaphore, #tpu.memory_space<semaphore_mem>>)
      %dma_wait3A_235 = arith.constant 0 : i32
      %dma_wait3A_236 = tpu.memref_slice %arg4[%arg0, %add3A_196, %dma_wait3A_235] : memref<2x10240x64xf32, #tpu.memory_space<hbm>> -> memref<1x128x64xf32, #tpu.memory_space<hbm>>
      %dma_wait3A_237 = tpu.memref_squeeze %dma_wait3A_236 : memref<1x128x64xf32, #tpu.memory_space<hbm>> -> memref<128x64xf32, #tpu.memory_space<hbm>>
      %dma_wait3A_238 = arith.constant 0 : i32
      %dma_wait3A_239 = tpu.memref_slice %arg4[%arg0, %add3A_196, %dma_wait3A_238] : memref<2x10240x64xf32, #tpu.memory_space<hbm>> -> memref<1x128x64xf32, #tpu.memory_space<hbm>>
      %dma_wait3A_240 = tpu.memref_squeeze %dma_wait3A_239 : memref<1x128x64xf32, #tpu.memory_space<hbm>> -> memref<128x64xf32, #tpu.memory_space<hbm>>
      tpu.wait_dma2 semaphore(%run_scoped3A : memref<!tpu.dma_semaphore, #tpu.memory_space<semaphore_mem>>) src(%arg7 : memref<128x64xf32, #tpu.memory_space<vmem>>) dst(%dma_wait3A_240 : memref<128x64xf32, #tpu.memory_space<hbm>>)
      tpu.yield
    }) : () -> ()
    %mul3A_197 = arith.constant 640 : i32
    %mul3A_198 = arith.muli %arg1, %mul3A_197 : i32
    %add3A_199 = arith.constant 128 : i32
    %add3A_200 = arith.addi %mul3A_198, %add3A_199 : i32
    "tpu.region"() ({
      %run_scoped3A = tpu.sem_alloc : memref<!tpu.dma_semaphore, #tpu.memory_space<semaphore_mem>>
      %dma_start3A_229 = arith.constant 0 : i32
      %dma_start3A_230 = tpu.memref_slice %arg11[%add3A_200, %dma_start3A_229] : memref<10240x64xf32, #tpu.memory_space<vmem_shared>> -> memref<128x64xf32, #tpu.memory_space<vmem_shared>>
      %dma_start3A_231 = arith.constant 0 : i32
      %dma_start3A_232 = tpu.memref_slice %arg11[%add3A_200, %dma_start3A_231] : memref<10240x64xf32, #tpu.memory_space<vmem_shared>> -> memref<128x64xf32, #tpu.memory_space<vmem_shared>>
      tpu.enqueue_dma source(%dma_start3A_232 : memref<128x64xf32, #tpu.memory_space<vmem_shared>>) target(%arg7 : memref<128x64xf32, #tpu.memory_space<vmem>>) target_semaphore(%run_scoped3A : memref<!tpu.dma_semaphore, #tpu.memory_space<semaphore_mem>>)
      %dma_wait3A_233 = arith.constant 0 : i32
      %dma_wait3A_234 = tpu.memref_slice %arg11[%add3A_200, %dma_wait3A_233] : memref<10240x64xf32, #tpu.memory_space<vmem_shared>> -> memref<128x64xf32, #tpu.memory_space<vmem_shared>>
      %dma_wait3A_235 = arith.constant 0 : i32
      %dma_wait3A_236 = tpu.memref_slice %arg11[%add3A_200, %dma_wait3A_235] : memref<10240x64xf32, #tpu.memory_space<vmem_shared>> -> memref<128x64xf32, #tpu.memory_space<vmem_shared>>
      tpu.wait_dma2 semaphore(%run_scoped3A : memref<!tpu.dma_semaphore, #tpu.memory_space<semaphore_mem>>) src(%dma_wait3A_236 : memref<128x64xf32, #tpu.memory_space<vmem_shared>>) dst(%arg7 : memref<128x64xf32, #tpu.memory_space<vmem>>)
      tpu.yield
    }) : () -> ()
    %mul3A_201 = arith.constant 640 : i32
    %mul3A_202 = arith.muli %arg1, %mul3A_201 : i32
    %add3A_203 = arith.constant 128 : i32
    %add3A_204 = arith.addi %mul3A_202, %add3A_203 : i32
    "tpu.region"() ({
      %run_scoped3A = tpu.sem_alloc : memref<!tpu.dma_semaphore, #tpu.memory_space<semaphore_mem>>
      %dma_start3A_229 = arith.constant 0 : i32
      %dma_start3A_230 = tpu.memref_slice %arg4[%arg0, %add3A_204, %dma_start3A_229] : memref<2x10240x64xf32, #tpu.memory_space<hbm>> -> memref<1x128x64xf32, #tpu.memory_space<hbm>>
      %dma_start3A_231 = tpu.memref_squeeze %dma_start3A_230 : memref<1x128x64xf32, #tpu.memory_space<hbm>> -> memref<128x64xf32, #tpu.memory_space<hbm>>
      %dma_start3A_232 = arith.constant 0 : i32
      %dma_start3A_233 = tpu.memref_slice %arg4[%arg0, %add3A_204, %dma_start3A_232] : memref<2x10240x64xf32, #tpu.memory_space<hbm>> -> memref<1x128x64xf32, #tpu.memory_space<hbm>>
      %dma_start3A_234 = tpu.memref_squeeze %dma_start3A_233 : memref<1x128x64xf32, #tpu.memory_space<hbm>> -> memref<128x64xf32, #tpu.memory_space<hbm>>
      tpu.enqueue_dma source(%arg7 : memref<128x64xf32, #tpu.memory_space<vmem>>) target(%dma_start3A_234 : memref<128x64xf32, #tpu.memory_space<hbm>>) target_semaphore(%run_scoped3A : memref<!tpu.dma_semaphore, #tpu.memory_space<semaphore_mem>>)
      %dma_wait3A_235 = arith.constant 0 : i32
      %dma_wait3A_236 = tpu.memref_slice %arg4[%arg0, %add3A_204, %dma_wait3A_235] : memref<2x10240x64xf32, #tpu.memory_space<hbm>> -> memref<1x128x64xf32, #tpu.memory_space<hbm>>
      %dma_wait3A_237 = tpu.memref_squeeze %dma_wait3A_236 : memref<1x128x64xf32, #tpu.memory_space<hbm>> -> memref<128x64xf32, #tpu.memory_space<hbm>>
      %dma_wait3A_238 = arith.constant 0 : i32
      %dma_wait3A_239 = tpu.memref_slice %arg4[%arg0, %add3A_204, %dma_wait3A_238] : memref<2x10240x64xf32, #tpu.memory_space<hbm>> -> memref<1x128x64xf32, #tpu.memory_space<hbm>>
      %dma_wait3A_240 = tpu.memref_squeeze %dma_wait3A_239 : memref<1x128x64xf32, #tpu.memory_space<hbm>> -> memref<128x64xf32, #tpu.memory_space<hbm>>
      tpu.wait_dma2 semaphore(%run_scoped3A : memref<!tpu.dma_semaphore, #tpu.memory_space<semaphore_mem>>) src(%arg7 : memref<128x64xf32, #tpu.memory_space<vmem>>) dst(%dma_wait3A_240 : memref<128x64xf32, #tpu.memory_space<hbm>>)
      tpu.yield
    }) : () -> ()
    %mul3A_205 = arith.constant 640 : i32
    %mul3A_206 = arith.muli %arg1, %mul3A_205 : i32
    %add3A_207 = arith.constant 256 : i32
    %add3A_208 = arith.addi %mul3A_206, %add3A_207 : i32
    "tpu.region"() ({
      %run_scoped3A = tpu.sem_alloc : memref<!tpu.dma_semaphore, #tpu.memory_space<semaphore_mem>>
      %dma_start3A_229 = arith.constant 0 : i32
      %dma_start3A_230 = tpu.memref_slice %arg11[%add3A_208, %dma_start3A_229] : memref<10240x64xf32, #tpu.memory_space<vmem_shared>> -> memref<128x64xf32, #tpu.memory_space<vmem_shared>>
      %dma_start3A_231 = arith.constant 0 : i32
      %dma_start3A_232 = tpu.memref_slice %arg11[%add3A_208, %dma_start3A_231] : memref<10240x64xf32, #tpu.memory_space<vmem_shared>> -> memref<128x64xf32, #tpu.memory_space<vmem_shared>>
      tpu.enqueue_dma source(%dma_start3A_232 : memref<128x64xf32, #tpu.memory_space<vmem_shared>>) target(%arg7 : memref<128x64xf32, #tpu.memory_space<vmem>>) target_semaphore(%run_scoped3A : memref<!tpu.dma_semaphore, #tpu.memory_space<semaphore_mem>>)
      %dma_wait3A_233 = arith.constant 0 : i32
      %dma_wait3A_234 = tpu.memref_slice %arg11[%add3A_208, %dma_wait3A_233] : memref<10240x64xf32, #tpu.memory_space<vmem_shared>> -> memref<128x64xf32, #tpu.memory_space<vmem_shared>>
      %dma_wait3A_235 = arith.constant 0 : i32
      %dma_wait3A_236 = tpu.memref_slice %arg11[%add3A_208, %dma_wait3A_235] : memref<10240x64xf32, #tpu.memory_space<vmem_shared>> -> memref<128x64xf32, #tpu.memory_space<vmem_shared>>
      tpu.wait_dma2 semaphore(%run_scoped3A : memref<!tpu.dma_semaphore, #tpu.memory_space<semaphore_mem>>) src(%dma_wait3A_236 : memref<128x64xf32, #tpu.memory_space<vmem_shared>>) dst(%arg7 : memref<128x64xf32, #tpu.memory_space<vmem>>)
      tpu.yield
    }) : () -> ()
    %mul3A_209 = arith.constant 640 : i32
    %mul3A_210 = arith.muli %arg1, %mul3A_209 : i32
    %add3A_211 = arith.constant 256 : i32
    %add3A_212 = arith.addi %mul3A_210, %add3A_211 : i32
    "tpu.region"() ({
      %run_scoped3A = tpu.sem_alloc : memref<!tpu.dma_semaphore, #tpu.memory_space<semaphore_mem>>
      %dma_start3A_229 = arith.constant 0 : i32
      %dma_start3A_230 = tpu.memref_slice %arg4[%arg0, %add3A_212, %dma_start3A_229] : memref<2x10240x64xf32, #tpu.memory_space<hbm>> -> memref<1x128x64xf32, #tpu.memory_space<hbm>>
      %dma_start3A_231 = tpu.memref_squeeze %dma_start3A_230 : memref<1x128x64xf32, #tpu.memory_space<hbm>> -> memref<128x64xf32, #tpu.memory_space<hbm>>
      %dma_start3A_232 = arith.constant 0 : i32
      %dma_start3A_233 = tpu.memref_slice %arg4[%arg0, %add3A_212, %dma_start3A_232] : memref<2x10240x64xf32, #tpu.memory_space<hbm>> -> memref<1x128x64xf32, #tpu.memory_space<hbm>>
      %dma_start3A_234 = tpu.memref_squeeze %dma_start3A_233 : memref<1x128x64xf32, #tpu.memory_space<hbm>> -> memref<128x64xf32, #tpu.memory_space<hbm>>
      tpu.enqueue_dma source(%arg7 : memref<128x64xf32, #tpu.memory_space<vmem>>) target(%dma_start3A_234 : memref<128x64xf32, #tpu.memory_space<hbm>>) target_semaphore(%run_scoped3A : memref<!tpu.dma_semaphore, #tpu.memory_space<semaphore_mem>>)
      %dma_wait3A_235 = arith.constant 0 : i32
      %dma_wait3A_236 = tpu.memref_slice %arg4[%arg0, %add3A_212, %dma_wait3A_235] : memref<2x10240x64xf32, #tpu.memory_space<hbm>> -> memref<1x128x64xf32, #tpu.memory_space<hbm>>
      %dma_wait3A_237 = tpu.memref_squeeze %dma_wait3A_236 : memref<1x128x64xf32, #tpu.memory_space<hbm>> -> memref<128x64xf32, #tpu.memory_space<hbm>>
      %dma_wait3A_238 = arith.constant 0 : i32
      %dma_wait3A_239 = tpu.memref_slice %arg4[%arg0, %add3A_212, %dma_wait3A_238] : memref<2x10240x64xf32, #tpu.memory_space<hbm>> -> memref<1x128x64xf32, #tpu.memory_space<hbm>>
      %dma_wait3A_240 = tpu.memref_squeeze %dma_wait3A_239 : memref<1x128x64xf32, #tpu.memory_space<hbm>> -> memref<128x64xf32, #tpu.memory_space<hbm>>
      tpu.wait_dma2 semaphore(%run_scoped3A : memref<!tpu.dma_semaphore, #tpu.memory_space<semaphore_mem>>) src(%arg7 : memref<128x64xf32, #tpu.memory_space<vmem>>) dst(%dma_wait3A_240 : memref<128x64xf32, #tpu.memory_space<hbm>>)
      tpu.yield
    }) : () -> ()
    %mul3A_213 = arith.constant 640 : i32
    %mul3A_214 = arith.muli %arg1, %mul3A_213 : i32
    %add3A_215 = arith.constant 384 : i32
    %add3A_216 = arith.addi %mul3A_214, %add3A_215 : i32
    "tpu.region"() ({
      %run_scoped3A = tpu.sem_alloc : memref<!tpu.dma_semaphore, #tpu.memory_space<semaphore_mem>>
      %dma_start3A_229 = arith.constant 0 : i32
      %dma_start3A_230 = tpu.memref_slice %arg11[%add3A_216, %dma_start3A_229] : memref<10240x64xf32, #tpu.memory_space<vmem_shared>> -> memref<128x64xf32, #tpu.memory_space<vmem_shared>>
      %dma_start3A_231 = arith.constant 0 : i32
      %dma_start3A_232 = tpu.memref_slice %arg11[%add3A_216, %dma_start3A_231] : memref<10240x64xf32, #tpu.memory_space<vmem_shared>> -> memref<128x64xf32, #tpu.memory_space<vmem_shared>>
      tpu.enqueue_dma source(%dma_start3A_232 : memref<128x64xf32, #tpu.memory_space<vmem_shared>>) target(%arg7 : memref<128x64xf32, #tpu.memory_space<vmem>>) target_semaphore(%run_scoped3A : memref<!tpu.dma_semaphore, #tpu.memory_space<semaphore_mem>>)
      %dma_wait3A_233 = arith.constant 0 : i32
      %dma_wait3A_234 = tpu.memref_slice %arg11[%add3A_216, %dma_wait3A_233] : memref<10240x64xf32, #tpu.memory_space<vmem_shared>> -> memref<128x64xf32, #tpu.memory_space<vmem_shared>>
      %dma_wait3A_235 = arith.constant 0 : i32
      %dma_wait3A_236 = tpu.memref_slice %arg11[%add3A_216, %dma_wait3A_235] : memref<10240x64xf32, #tpu.memory_space<vmem_shared>> -> memref<128x64xf32, #tpu.memory_space<vmem_shared>>
      tpu.wait_dma2 semaphore(%run_scoped3A : memref<!tpu.dma_semaphore, #tpu.memory_space<semaphore_mem>>) src(%dma_wait3A_236 : memref<128x64xf32, #tpu.memory_space<vmem_shared>>) dst(%arg7 : memref<128x64xf32, #tpu.memory_space<vmem>>)
      tpu.yield
    }) : () -> ()
    %mul3A_217 = arith.constant 640 : i32
    %mul3A_218 = arith.muli %arg1, %mul3A_217 : i32
    %add3A_219 = arith.constant 384 : i32
    %add3A_220 = arith.addi %mul3A_218, %add3A_219 : i32
    "tpu.region"() ({
      %run_scoped3A = tpu.sem_alloc : memref<!tpu.dma_semaphore, #tpu.memory_space<semaphore_mem>>
      %dma_start3A_229 = arith.constant 0 : i32
      %dma_start3A_230 = tpu.memref_slice %arg4[%arg0, %add3A_220, %dma_start3A_229] : memref<2x10240x64xf32, #tpu.memory_space<hbm>> -> memref<1x128x64xf32, #tpu.memory_space<hbm>>
      %dma_start3A_231 = tpu.memref_squeeze %dma_start3A_230 : memref<1x128x64xf32, #tpu.memory_space<hbm>> -> memref<128x64xf32, #tpu.memory_space<hbm>>
      %dma_start3A_232 = arith.constant 0 : i32
      %dma_start3A_233 = tpu.memref_slice %arg4[%arg0, %add3A_220, %dma_start3A_232] : memref<2x10240x64xf32, #tpu.memory_space<hbm>> -> memref<1x128x64xf32, #tpu.memory_space<hbm>>
      %dma_start3A_234 = tpu.memref_squeeze %dma_start3A_233 : memref<1x128x64xf32, #tpu.memory_space<hbm>> -> memref<128x64xf32, #tpu.memory_space<hbm>>
      tpu.enqueue_dma source(%arg7 : memref<128x64xf32, #tpu.memory_space<vmem>>) target(%dma_start3A_234 : memref<128x64xf32, #tpu.memory_space<hbm>>) target_semaphore(%run_scoped3A : memref<!tpu.dma_semaphore, #tpu.memory_space<semaphore_mem>>)
      %dma_wait3A_235 = arith.constant 0 : i32
      %dma_wait3A_236 = tpu.memref_slice %arg4[%arg0, %add3A_220, %dma_wait3A_235] : memref<2x10240x64xf32, #tpu.memory_space<hbm>> -> memref<1x128x64xf32, #tpu.memory_space<hbm>>
      %dma_wait3A_237 = tpu.memref_squeeze %dma_wait3A_236 : memref<1x128x64xf32, #tpu.memory_space<hbm>> -> memref<128x64xf32, #tpu.memory_space<hbm>>
      %dma_wait3A_238 = arith.constant 0 : i32
      %dma_wait3A_239 = tpu.memref_slice %arg4[%arg0, %add3A_220, %dma_wait3A_238] : memref<2x10240x64xf32, #tpu.memory_space<hbm>> -> memref<1x128x64xf32, #tpu.memory_space<hbm>>
      %dma_wait3A_240 = tpu.memref_squeeze %dma_wait3A_239 : memref<1x128x64xf32, #tpu.memory_space<hbm>> -> memref<128x64xf32, #tpu.memory_space<hbm>>
      tpu.wait_dma2 semaphore(%run_scoped3A : memref<!tpu.dma_semaphore, #tpu.memory_space<semaphore_mem>>) src(%arg7 : memref<128x64xf32, #tpu.memory_space<vmem>>) dst(%dma_wait3A_240 : memref<128x64xf32, #tpu.memory_space<hbm>>)
      tpu.yield
    }) : () -> ()
    %mul3A_221 = arith.constant 640 : i32
    %mul3A_222 = arith.muli %arg1, %mul3A_221 : i32
    %add3A_223 = arith.constant 512 : i32
    %add3A_224 = arith.addi %mul3A_222, %add3A_223 : i32
    "tpu.region"() ({
      %run_scoped3A = tpu.sem_alloc : memref<!tpu.dma_semaphore, #tpu.memory_space<semaphore_mem>>
      %dma_start3A_229 = arith.constant 0 : i32
      %dma_start3A_230 = tpu.memref_slice %arg11[%add3A_224, %dma_start3A_229] : memref<10240x64xf32, #tpu.memory_space<vmem_shared>> -> memref<128x64xf32, #tpu.memory_space<vmem_shared>>
      %dma_start3A_231 = arith.constant 0 : i32
      %dma_start3A_232 = tpu.memref_slice %arg11[%add3A_224, %dma_start3A_231] : memref<10240x64xf32, #tpu.memory_space<vmem_shared>> -> memref<128x64xf32, #tpu.memory_space<vmem_shared>>
      tpu.enqueue_dma source(%dma_start3A_232 : memref<128x64xf32, #tpu.memory_space<vmem_shared>>) target(%arg7 : memref<128x64xf32, #tpu.memory_space<vmem>>) target_semaphore(%run_scoped3A : memref<!tpu.dma_semaphore, #tpu.memory_space<semaphore_mem>>)
      %dma_wait3A_233 = arith.constant 0 : i32
      %dma_wait3A_234 = tpu.memref_slice %arg11[%add3A_224, %dma_wait3A_233] : memref<10240x64xf32, #tpu.memory_space<vmem_shared>> -> memref<128x64xf32, #tpu.memory_space<vmem_shared>>
      %dma_wait3A_235 = arith.constant 0 : i32
      %dma_wait3A_236 = tpu.memref_slice %arg11[%add3A_224, %dma_wait3A_235] : memref<10240x64xf32, #tpu.memory_space<vmem_shared>> -> memref<128x64xf32, #tpu.memory_space<vmem_shared>>
      tpu.wait_dma2 semaphore(%run_scoped3A : memref<!tpu.dma_semaphore, #tpu.memory_space<semaphore_mem>>) src(%dma_wait3A_236 : memref<128x64xf32, #tpu.memory_space<vmem_shared>>) dst(%arg7 : memref<128x64xf32, #tpu.memory_space<vmem>>)
      tpu.yield
    }) : () -> ()
    %mul3A_225 = arith.constant 640 : i32
    %mul3A_226 = arith.muli %arg1, %mul3A_225 : i32
    %add3A_227 = arith.constant 512 : i32
    %add3A_228 = arith.addi %mul3A_226, %add3A_227 : i32
    "tpu.region"() ({
      %run_scoped3A = tpu.sem_alloc : memref<!tpu.dma_semaphore, #tpu.memory_space<semaphore_mem>>
      %dma_start3A_229 = arith.constant 0 : i32
      %dma_start3A_230 = tpu.memref_slice %arg4[%arg0, %add3A_228, %dma_start3A_229] : memref<2x10240x64xf32, #tpu.memory_space<hbm>> -> memref<1x128x64xf32, #tpu.memory_space<hbm>>
      %dma_start3A_231 = tpu.memref_squeeze %dma_start3A_230 : memref<1x128x64xf32, #tpu.memory_space<hbm>> -> memref<128x64xf32, #tpu.memory_space<hbm>>
      %dma_start3A_232 = arith.constant 0 : i32
      %dma_start3A_233 = tpu.memref_slice %arg4[%arg0, %add3A_228, %dma_start3A_232] : memref<2x10240x64xf32, #tpu.memory_space<hbm>> -> memref<1x128x64xf32, #tpu.memory_space<hbm>>
      %dma_start3A_234 = tpu.memref_squeeze %dma_start3A_233 : memref<1x128x64xf32, #tpu.memory_space<hbm>> -> memref<128x64xf32, #tpu.memory_space<hbm>>
      tpu.enqueue_dma source(%arg7 : memref<128x64xf32, #tpu.memory_space<vmem>>) target(%dma_start3A_234 : memref<128x64xf32, #tpu.memory_space<hbm>>) target_semaphore(%run_scoped3A : memref<!tpu.dma_semaphore, #tpu.memory_space<semaphore_mem>>)
      %dma_wait3A_235 = arith.constant 0 : i32
      %dma_wait3A_236 = tpu.memref_slice %arg4[%arg0, %add3A_228, %dma_wait3A_235] : memref<2x10240x64xf32, #tpu.memory_space<hbm>> -> memref<1x128x64xf32, #tpu.memory_space<hbm>>
      %dma_wait3A_237 = tpu.memref_squeeze %dma_wait3A_236 : memref<1x128x64xf32, #tpu.memory_space<hbm>> -> memref<128x64xf32, #tpu.memory_space<hbm>>
      %dma_wait3A_238 = arith.constant 0 : i32
      %dma_wait3A_239 = tpu.memref_slice %arg4[%arg0, %add3A_228, %dma_wait3A_238] : memref<2x10240x64xf32, #tpu.memory_space<hbm>> -> memref<1x128x64xf32, #tpu.memory_space<hbm>>
      %dma_wait3A_240 = tpu.memref_squeeze %dma_wait3A_239 : memref<1x128x64xf32, #tpu.memory_space<hbm>> -> memref<128x64xf32, #tpu.memory_space<hbm>>
      tpu.wait_dma2 semaphore(%run_scoped3A : memref<!tpu.dma_semaphore, #tpu.memory_space<semaphore_mem>>) src(%arg7 : memref<128x64xf32, #tpu.memory_space<vmem>>) dst(%dma_wait3A_240 : memref<128x64xf32, #tpu.memory_space<hbm>>)
      tpu.yield
    }) : () -> ()
    return
  }
}

#map = affine_map<(d0, d1) -> (0, 0, 0)>
#map1 = affine_map<(d0, d1) -> (0)>
module attributes {stable_mosaic.version = 14 : i64} {
  func.func @_deg_body(%arg0: i32, %arg1: i32, %arg2: memref<2x2500x128xi32, #tpu.memory_space<hbm>>, %arg3: memref<20480xf32, #tpu.memory_space<hbm>>, %arg4: memref<79x128xi32, #tpu.memory_space<vmem>>, %arg5: memref<128xf32, #tpu.memory_space<vmem>>, %arg6: memref<640xf32, #tpu.memory_space<vmem>>, %arg7: memref<10240xf32, #tpu.memory_space<vmem_shared>>, %arg8: memref<!tpu.dma_semaphore, #tpu.memory_space<semaphore_mem>>) attributes {dimension_semantics = [#tpu.dimension_semantics<core_parallel>, #tpu.dimension_semantics<subcore_parallel>], iteration_bounds = array<i64: 2, 16>, scalar_prefetch = 0 : i64, scratch_operands = 5 : i64, tpu.core_type = #tpu.core_type<sc_vector_subcore>, window_params = [{transform_indices = #map}, {transform_indices = #map1}]} {
    %mul3A = arith.constant 16 : i32
    %mul3A_0 = arith.muli %arg0, %mul3A : i32
    %add3A = arith.addi %mul3A_0, %arg1 : i32
    %mul3A_1 = arith.constant 78 : i32
    %mul3A_2 = arith.muli %mul3A_1, %add3A : i32
    %sub3A = arith.constant 28 : i32
    %sub3A_3 = arith.subi %add3A, %sub3A : i32
    %max3A = arith.constant 0 : i32
    %max3A_4 = arith.maxsi %sub3A_3, %max3A : i32
    %add3A_5 = arith.addi %mul3A_2, %max3A_4 : i32
    %ge3A = arith.constant 28 : i32
    %ge3A_6 = arith.cmpi sge, %add3A, %ge3A : i32
    %jit3A = arith.constant 1 : i32
    %jit3A_7 = arith.constant 0 : i32
    %select_n3A = arith.select %ge3A_6, %jit3A, %jit3A_7 : i32
    %add3A_8 = arith.constant 78 : i32
    %add3A_9 = arith.addi %add3A_8, %select_n3A : i32
    %dma_start3A = arith.constant 1 : i32
    %dma_start3A_10 = arith.constant 0 : i32
    %dma_start3A_11 = tpu.memref_slice %arg2[%dma_start3A, %add3A_5, %dma_start3A_10] : memref<2x2500x128xi32, #tpu.memory_space<hbm>> -> memref<1x79x128xi32, #tpu.memory_space<hbm>>
    %dma_start3A_12 = tpu.memref_squeeze %dma_start3A_11 : memref<1x79x128xi32, #tpu.memory_space<hbm>> -> memref<79x128xi32, #tpu.memory_space<hbm>>
    %dma_start3A_13 = arith.constant 0 : i32
    %dma_start3A_14 = tpu.memref_slice %arg2[%dma_start3A, %add3A_5, %dma_start3A_13] : memref<2x2500x128xi32, #tpu.memory_space<hbm>> -> memref<1x79x128xi32, #tpu.memory_space<hbm>>
    %dma_start3A_15 = tpu.memref_squeeze %dma_start3A_14 : memref<1x79x128xi32, #tpu.memory_space<hbm>> -> memref<79x128xi32, #tpu.memory_space<hbm>>
    tpu.enqueue_dma source(%dma_start3A_15 : memref<79x128xi32, #tpu.memory_space<hbm>>) target(%arg4 : memref<79x128xi32, #tpu.memory_space<vmem>>) target_semaphore(%arg8 : memref<!tpu.dma_semaphore, #tpu.memory_space<semaphore_mem>>)
    %broadcast_in_dim3A = arith.constant 1.000000e+00 : f32
    %broadcast_in_dim3A_16 = vector.broadcast %broadcast_in_dim3A : f32 to vector<16xf32>
    %swap3A = arith.constant 0 : index
    %swap3A_17 = tpu.vector_load %arg5[%swap3A] {strides = array<i32>} : memref<128xf32, #tpu.memory_space<vmem>>, vector<16xf32>,
    %swap3A_18 = vector.shape_cast %swap3A_17 : vector<16xf32> to vector<16xf32>
    %swap3A_19 = vector.shape_cast %broadcast_in_dim3A_16 : vector<16xf32> to vector<16xf32>
    tpu.vector_store %arg5[%swap3A], %swap3A_19 {strides = array<i32>} : memref<128xf32, #tpu.memory_space<vmem>>, vector<16xf32>,
    %broadcast_in_dim3A_20 = arith.constant 1.000000e+00 : f32
    %broadcast_in_dim3A_21 = vector.broadcast %broadcast_in_dim3A_20 : f32 to vector<16xf32>
    %swap3A_22 = arith.constant 16 : index
    %swap3A_23 = tpu.vector_load %arg5[%swap3A_22] {strides = array<i32>} : memref<128xf32, #tpu.memory_space<vmem>>, vector<16xf32>,
    %swap3A_24 = vector.shape_cast %swap3A_23 : vector<16xf32> to vector<16xf32>
    %swap3A_25 = vector.shape_cast %broadcast_in_dim3A_21 : vector<16xf32> to vector<16xf32>
    tpu.vector_store %arg5[%swap3A_22], %swap3A_25 {strides = array<i32>} : memref<128xf32, #tpu.memory_space<vmem>>, vector<16xf32>,
    %broadcast_in_dim3A_26 = arith.constant 1.000000e+00 : f32
    %broadcast_in_dim3A_27 = vector.broadcast %broadcast_in_dim3A_26 : f32 to vector<16xf32>
    %swap3A_28 = arith.constant 32 : index
    %swap3A_29 = tpu.vector_load %arg5[%swap3A_28] {strides = array<i32>} : memref<128xf32, #tpu.memory_space<vmem>>, vector<16xf32>,
    %swap3A_30 = vector.shape_cast %swap3A_29 : vector<16xf32> to vector<16xf32>
    %swap3A_31 = vector.shape_cast %broadcast_in_dim3A_27 : vector<16xf32> to vector<16xf32>
    tpu.vector_store %arg5[%swap3A_28], %swap3A_31 {strides = array<i32>} : memref<128xf32, #tpu.memory_space<vmem>>, vector<16xf32>,
    %broadcast_in_dim3A_32 = arith.constant 1.000000e+00 : f32
    %broadcast_in_dim3A_33 = vector.broadcast %broadcast_in_dim3A_32 : f32 to vector<16xf32>
    %swap3A_34 = arith.constant 48 : index
    %swap3A_35 = tpu.vector_load %arg5[%swap3A_34] {strides = array<i32>} : memref<128xf32, #tpu.memory_space<vmem>>, vector<16xf32>,
    %swap3A_36 = vector.shape_cast %swap3A_35 : vector<16xf32> to vector<16xf32>
    %swap3A_37 = vector.shape_cast %broadcast_in_dim3A_33 : vector<16xf32> to vector<16xf32>
    tpu.vector_store %arg5[%swap3A_34], %swap3A_37 {strides = array<i32>} : memref<128xf32, #tpu.memory_space<vmem>>, vector<16xf32>,
    %broadcast_in_dim3A_38 = arith.constant 1.000000e+00 : f32
    %broadcast_in_dim3A_39 = vector.broadcast %broadcast_in_dim3A_38 : f32 to vector<16xf32>
    %swap3A_40 = arith.constant 64 : index
    %swap3A_41 = tpu.vector_load %arg5[%swap3A_40] {strides = array<i32>} : memref<128xf32, #tpu.memory_space<vmem>>, vector<16xf32>,
    %swap3A_42 = vector.shape_cast %swap3A_41 : vector<16xf32> to vector<16xf32>
    %swap3A_43 = vector.shape_cast %broadcast_in_dim3A_39 : vector<16xf32> to vector<16xf32>
    tpu.vector_store %arg5[%swap3A_40], %swap3A_43 {strides = array<i32>} : memref<128xf32, #tpu.memory_space<vmem>>, vector<16xf32>,
    %broadcast_in_dim3A_44 = arith.constant 1.000000e+00 : f32
    %broadcast_in_dim3A_45 = vector.broadcast %broadcast_in_dim3A_44 : f32 to vector<16xf32>
    %swap3A_46 = arith.constant 80 : index
    %swap3A_47 = tpu.vector_load %arg5[%swap3A_46] {strides = array<i32>} : memref<128xf32, #tpu.memory_space<vmem>>, vector<16xf32>,
    %swap3A_48 = vector.shape_cast %swap3A_47 : vector<16xf32> to vector<16xf32>
    %swap3A_49 = vector.shape_cast %broadcast_in_dim3A_45 : vector<16xf32> to vector<16xf32>
    tpu.vector_store %arg5[%swap3A_46], %swap3A_49 {strides = array<i32>} : memref<128xf32, #tpu.memory_space<vmem>>, vector<16xf32>,
    %broadcast_in_dim3A_50 = arith.constant 1.000000e+00 : f32
    %broadcast_in_dim3A_51 = vector.broadcast %broadcast_in_dim3A_50 : f32 to vector<16xf32>
    %swap3A_52 = arith.constant 96 : index
    %swap3A_53 = tpu.vector_load %arg5[%swap3A_52] {strides = array<i32>} : memref<128xf32, #tpu.memory_space<vmem>>, vector<16xf32>,
    %swap3A_54 = vector.shape_cast %swap3A_53 : vector<16xf32> to vector<16xf32>
    %swap3A_55 = vector.shape_cast %broadcast_in_dim3A_51 : vector<16xf32> to vector<16xf32>
    tpu.vector_store %arg5[%swap3A_52], %swap3A_55 {strides = array<i32>} : memref<128xf32, #tpu.memory_space<vmem>>, vector<16xf32>,
    %broadcast_in_dim3A_56 = arith.constant 1.000000e+00 : f32
    %broadcast_in_dim3A_57 = vector.broadcast %broadcast_in_dim3A_56 : f32 to vector<16xf32>
    %swap3A_58 = arith.constant 112 : index
    %swap3A_59 = tpu.vector_load %arg5[%swap3A_58] {strides = array<i32>} : memref<128xf32, #tpu.memory_space<vmem>>, vector<16xf32>,
    %swap3A_60 = vector.shape_cast %swap3A_59 : vector<16xf32> to vector<16xf32>
    %swap3A_61 = vector.shape_cast %broadcast_in_dim3A_57 : vector<16xf32> to vector<16xf32>
    tpu.vector_store %arg5[%swap3A_58], %swap3A_61 {strides = array<i32>} : memref<128xf32, #tpu.memory_space<vmem>>, vector<16xf32>,
    %scan3A = arith.constant 0 : i32
    %scan3A_62 = arith.constant 0 : i32
    %scan3A_63 = arith.constant 40 : i32
    %scan3A_64 = arith.addi %scan3A_62, %scan3A_63 : i32
    %scan3A_65 = arith.constant 1 : i32
    scf.for %scan3A_92 = %scan3A_62 to %scan3A_64 step %scan3A_65  : i32 {
      %broadcast_in_dim3A_93 = arith.constant 0.000000e+00 : f32
      %broadcast_in_dim3A_94 = vector.broadcast %broadcast_in_dim3A_93 : f32 to vector<16xf32>
      %mul3A_95 = arith.constant 16 : i32
      %mul3A_96 = arith.muli %scan3A_92, %mul3A_95 : i32
      %swap3A_97 = arith.index_cast %mul3A_96 : i32 to index
      %swap3A_98 = tpu.vector_load %arg6[%swap3A_97] {strides = array<i32>} : memref<640xf32, #tpu.memory_space<vmem>>, vector<16xf32>,
      %swap3A_99 = vector.shape_cast %swap3A_98 : vector<16xf32> to vector<16xf32>
      %swap3A_100 = vector.shape_cast %broadcast_in_dim3A_94 : vector<16xf32> to vector<16xf32>
      tpu.vector_store %arg6[%swap3A_97], %swap3A_100 {strides = array<i32>} : memref<640xf32, #tpu.memory_space<vmem>>, vector<16xf32>,
    }
    %scan3A_66 = arith.constant 40 : i32
    %mul3A_67 = arith.constant 640 : i32
    %mul3A_68 = arith.muli %arg1, %mul3A_67 : i32
    "tpu.region"() ({
      %run_scoped3A = tpu.sem_alloc : memref<!tpu.dma_semaphore, #tpu.memory_space<semaphore_mem>>
      %dma_start3A_92 = tpu.memref_slice %arg7[%mul3A_68] : memref<10240xf32, #tpu.memory_space<vmem_shared>> -> memref<640xf32, #tpu.memory_space<vmem_shared>>
      %dma_start3A_93 = tpu.memref_slice %arg7[%mul3A_68] : memref<10240xf32, #tpu.memory_space<vmem_shared>> -> memref<640xf32, #tpu.memory_space<vmem_shared>>
      tpu.enqueue_dma source(%arg6 : memref<640xf32, #tpu.memory_space<vmem>>) target(%dma_start3A_93 : memref<640xf32, #tpu.memory_space<vmem_shared>>) target_semaphore(%run_scoped3A : memref<!tpu.dma_semaphore, #tpu.memory_space<semaphore_mem>>)
      %dma_wait3A_94 = tpu.memref_slice %arg7[%mul3A_68] : memref<10240xf32, #tpu.memory_space<vmem_shared>> -> memref<640xf32, #tpu.memory_space<vmem_shared>>
      %dma_wait3A_95 = tpu.memref_slice %arg7[%mul3A_68] : memref<10240xf32, #tpu.memory_space<vmem_shared>> -> memref<640xf32, #tpu.memory_space<vmem_shared>>
      tpu.wait_dma2 semaphore(%run_scoped3A : memref<!tpu.dma_semaphore, #tpu.memory_space<semaphore_mem>>) src(%arg6 : memref<640xf32, #tpu.memory_space<vmem>>) dst(%dma_wait3A_95 : memref<640xf32, #tpu.memory_space<vmem_shared>>)
      tpu.yield
    }) : () -> ()
    %dma_wait3A = arith.constant 1 : i32
    %dma_wait3A_69 = arith.constant 0 : i32
    %dma_wait3A_70 = tpu.memref_slice %arg2[%dma_wait3A, %add3A_5, %dma_wait3A_69] : memref<2x2500x128xi32, #tpu.memory_space<hbm>> -> memref<1x79x128xi32, #tpu.memory_space<hbm>>
    %dma_wait3A_71 = tpu.memref_squeeze %dma_wait3A_70 : memref<1x79x128xi32, #tpu.memory_space<hbm>> -> memref<79x128xi32, #tpu.memory_space<hbm>>
    %dma_wait3A_72 = arith.constant 0 : i32
    %dma_wait3A_73 = tpu.memref_slice %arg2[%dma_wait3A, %add3A_5, %dma_wait3A_72] : memref<2x2500x128xi32, #tpu.memory_space<hbm>> -> memref<1x79x128xi32, #tpu.memory_space<hbm>>
    %dma_wait3A_74 = tpu.memref_squeeze %dma_wait3A_73 : memref<1x79x128xi32, #tpu.memory_space<hbm>> -> memref<79x128xi32, #tpu.memory_space<hbm>>
    tpu.wait_dma2 semaphore(%arg8 : memref<!tpu.dma_semaphore, #tpu.memory_space<semaphore_mem>>) src(%dma_wait3A_74 : memref<79x128xi32, #tpu.memory_space<hbm>>) dst(%arg4 : memref<79x128xi32, #tpu.memory_space<vmem>>)
    %barrier3A = arith.constant 0 : index
    tpu.barrier barrier_id(%barrier3A)
    %while3A = arith.constant 0 : i32
    %while3A_75 = arith.constant 0 : i32
    %while3A_76 = arith.subi %add3A_9, %while3A_75 : i32
    %while3A_77 = arith.addi %while3A_75, %while3A_76 : i32
    %while3A_78 = arith.constant 1 : i32
    %while3A_79 = arith.divsi %while3A_76, %while3A_78 : i32
    %while3A_80 = arith.muli %while3A_79, %while3A_78 : i32
    %while3A_81 = arith.addi %while3A_75, %while3A_80 : i32
    %while3A_82 = arith.constant 1 : i32
    scf.for %while3A_92 = %while3A_75 to %while3A_81 step %while3A_82  : i32 {
      "tpu.region"() ({
        %run_scoped3A = tpu.sem_alloc : memref<!tpu.dma_semaphore, #tpu.memory_space<semaphore_mem>>
        %dma_start3A_93 = arith.constant 0 : i32
        %dma_start3A_94 = tpu.memref_slice %arg4[%while3A_92, %dma_start3A_93] : memref<79x128xi32, #tpu.memory_space<vmem>> -> memref<1x128xi32, #tpu.memory_space<vmem>>
        %dma_start3A_95 = tpu.memref_squeeze %dma_start3A_94 : memref<1x128xi32, #tpu.memory_space<vmem>> -> memref<128xi32, #tpu.memory_space<vmem>>
        %dma_start3A_96 = arith.constant 0 : i32
        %dma_start3A_97 = tpu.memref_slice %arg7[%dma_start3A_96] : memref<10240xf32, #tpu.memory_space<vmem_shared>> -> memref<10240xf32, #tpu.memory_space<vmem_shared>>
        tpu.enqueue_indirect_dma source(%arg5 : memref<128xf32, #tpu.memory_space<vmem>>) target(%dma_start3A_97 : memref<10240xf32, #tpu.memory_space<vmem_shared>>) offsets(%dma_start3A_95 : memref<128xi32, #tpu.memory_space<vmem>>) semaphore(%run_scoped3A : memref<!tpu.dma_semaphore, #tpu.memory_space<semaphore_mem>>) {add = true}
        %dma_wait3A_98 = arith.constant 0 : i32
        %dma_wait3A_99 = tpu.memref_slice %arg4[%while3A_92, %dma_wait3A_98] : memref<79x128xi32, #tpu.memory_space<vmem>> -> memref<1x128xi32, #tpu.memory_space<vmem>>
        %dma_wait3A_100 = tpu.memref_squeeze %dma_wait3A_99 : memref<1x128xi32, #tpu.memory_space<vmem>> -> memref<128xi32, #tpu.memory_space<vmem>>
        %dma_wait3A_101 = arith.constant 0 : i32
        %dma_wait3A_102 = tpu.memref_slice %arg7[%dma_wait3A_101] : memref<10240xf32, #tpu.memory_space<vmem_shared>> -> memref<10240xf32, #tpu.memory_space<vmem_shared>>
        tpu.wait_indirect_dma semaphore(%run_scoped3A : memref<!tpu.dma_semaphore, #tpu.memory_space<semaphore_mem>>) src(%arg5 : memref<128xf32, #tpu.memory_space<vmem>>) dst(%dma_wait3A_102 : memref<10240xf32, #tpu.memory_space<vmem_shared>>)
        tpu.yield
      }) : () -> ()
    }
    %while3A_83 = arith.constant 1 : i32
    scf.for %while3A_92 = %while3A_81 to %while3A_77 step %while3A_83  : i32 {
      "tpu.region"() ({
        %run_scoped3A = tpu.sem_alloc : memref<!tpu.dma_semaphore, #tpu.memory_space<semaphore_mem>>
        %dma_start3A_93 = arith.constant 0 : i32
        %dma_start3A_94 = tpu.memref_slice %arg4[%while3A_92, %dma_start3A_93] : memref<79x128xi32, #tpu.memory_space<vmem>> -> memref<1x128xi32, #tpu.memory_space<vmem>>
        %dma_start3A_95 = tpu.memref_squeeze %dma_start3A_94 : memref<1x128xi32, #tpu.memory_space<vmem>> -> memref<128xi32, #tpu.memory_space<vmem>>
        %dma_start3A_96 = arith.constant 0 : i32
        %dma_start3A_97 = tpu.memref_slice %arg7[%dma_start3A_96] : memref<10240xf32, #tpu.memory_space<vmem_shared>> -> memref<10240xf32, #tpu.memory_space<vmem_shared>>
        tpu.enqueue_indirect_dma source(%arg5 : memref<128xf32, #tpu.memory_space<vmem>>) target(%dma_start3A_97 : memref<10240xf32, #tpu.memory_space<vmem_shared>>) offsets(%dma_start3A_95 : memref<128xi32, #tpu.memory_space<vmem>>) semaphore(%run_scoped3A : memref<!tpu.dma_semaphore, #tpu.memory_space<semaphore_mem>>) {add = true}
        %dma_wait3A_98 = arith.constant 0 : i32
        %dma_wait3A_99 = tpu.memref_slice %arg4[%while3A_92, %dma_wait3A_98] : memref<79x128xi32, #tpu.memory_space<vmem>> -> memref<1x128xi32, #tpu.memory_space<vmem>>
        %dma_wait3A_100 = tpu.memref_squeeze %dma_wait3A_99 : memref<1x128xi32, #tpu.memory_space<vmem>> -> memref<128xi32, #tpu.memory_space<vmem>>
        %dma_wait3A_101 = arith.constant 0 : i32
        %dma_wait3A_102 = tpu.memref_slice %arg7[%dma_wait3A_101] : memref<10240xf32, #tpu.memory_space<vmem_shared>> -> memref<10240xf32, #tpu.memory_space<vmem_shared>>
        tpu.wait_indirect_dma semaphore(%run_scoped3A : memref<!tpu.dma_semaphore, #tpu.memory_space<semaphore_mem>>) src(%arg5 : memref<128xf32, #tpu.memory_space<vmem>>) dst(%dma_wait3A_102 : memref<10240xf32, #tpu.memory_space<vmem_shared>>)
        tpu.yield
      }) : () -> ()
    }
    %barrier3A_84 = arith.constant 0 : index
    tpu.barrier barrier_id(%barrier3A_84)
    %mul3A_85 = arith.constant 640 : i32
    %mul3A_86 = arith.muli %arg1, %mul3A_85 : i32
    "tpu.region"() ({
      %run_scoped3A = tpu.sem_alloc : memref<!tpu.dma_semaphore, #tpu.memory_space<semaphore_mem>>
      %dma_start3A_92 = tpu.memref_slice %arg7[%mul3A_86] : memref<10240xf32, #tpu.memory_space<vmem_shared>> -> memref<640xf32, #tpu.memory_space<vmem_shared>>
      %dma_start3A_93 = tpu.memref_slice %arg7[%mul3A_86] : memref<10240xf32, #tpu.memory_space<vmem_shared>> -> memref<640xf32, #tpu.memory_space<vmem_shared>>
      tpu.enqueue_dma source(%dma_start3A_93 : memref<640xf32, #tpu.memory_space<vmem_shared>>) target(%arg6 : memref<640xf32, #tpu.memory_space<vmem>>) target_semaphore(%run_scoped3A : memref<!tpu.dma_semaphore, #tpu.memory_space<semaphore_mem>>)
      %dma_wait3A_94 = tpu.memref_slice %arg7[%mul3A_86] : memref<10240xf32, #tpu.memory_space<vmem_shared>> -> memref<640xf32, #tpu.memory_space<vmem_shared>>
      %dma_wait3A_95 = tpu.memref_slice %arg7[%mul3A_86] : memref<10240xf32, #tpu.memory_space<vmem_shared>> -> memref<640xf32, #tpu.memory_space<vmem_shared>>
      tpu.wait_dma2 semaphore(%run_scoped3A : memref<!tpu.dma_semaphore, #tpu.memory_space<semaphore_mem>>) src(%dma_wait3A_95 : memref<640xf32, #tpu.memory_space<vmem_shared>>) dst(%arg6 : memref<640xf32, #tpu.memory_space<vmem>>)
      tpu.yield
    }) : () -> ()
    %mul3A_87 = arith.constant 10240 : i32
    %mul3A_88 = arith.muli %arg0, %mul3A_87 : i32
    %mul3A_89 = arith.constant 640 : i32
    %mul3A_90 = arith.muli %arg1, %mul3A_89 : i32
    %add3A_91 = arith.addi %mul3A_88, %mul3A_90 : i32
    "tpu.region"() ({
      %run_scoped3A = tpu.sem_alloc : memref<!tpu.dma_semaphore, #tpu.memory_space<semaphore_mem>>
      %dma_start3A_92 = tpu.memref_slice %arg3[%add3A_91] : memref<20480xf32, #tpu.memory_space<hbm>> -> memref<640xf32, #tpu.memory_space<hbm>>
      %dma_start3A_93 = tpu.memref_slice %arg3[%add3A_91] : memref<20480xf32, #tpu.memory_space<hbm>> -> memref<640xf32, #tpu.memory_space<hbm>>
      tpu.enqueue_dma source(%arg6 : memref<640xf32, #tpu.memory_space<vmem>>) target(%dma_start3A_93 : memref<640xf32, #tpu.memory_space<hbm>>) target_semaphore(%run_scoped3A : memref<!tpu.dma_semaphore, #tpu.memory_space<semaphore_mem>>)
      %dma_wait3A_94 = tpu.memref_slice %arg3[%add3A_91] : memref<20480xf32, #tpu.memory_space<hbm>> -> memref<640xf32, #tpu.memory_space<hbm>>
      %dma_wait3A_95 = tpu.memref_slice %arg3[%add3A_91] : memref<20480xf32, #tpu.memory_space<hbm>> -> memref<640xf32, #tpu.memory_space<hbm>>
      tpu.wait_dma2 semaphore(%run_scoped3A : memref<!tpu.dma_semaphore, #tpu.memory_space<semaphore_mem>>) src(%arg6 : memref<640xf32, #tpu.memory_space<vmem>>) dst(%dma_wait3A_95 : memref<640xf32, #tpu.memory_space<hbm>>)
      tpu.yield
    }) : () -> ()
    return
  }
}

module attributes {stable_mosaic.version = 14 : i64} {
  func.func @_scale_body(%arg0: i32, %arg1: memref<2048x64xf32, #tpu.memory_space<vmem>>, %arg2: memref<2x16x128xf32, #tpu.memory_space<vmem>>, %arg3: memref<2048x64xf32, #tpu.memory_space<vmem>>) attributes {dimension_semantics = [#tpu.dimension_semantics<arbitrary>], iteration_bounds = array<i64: 5>, scalar_prefetch = 0 : i64, scratch_operands = 0 : i64, tpu.core_type = #tpu.core_type<tc>, window_params = [{transform_indices = @transform_0, window_bounds = array<i64: 2048, 64>}, {transform_indices = @transform_1, window_bounds = array<i64: 2, 16, 128>}, {transform_indices = @transform_2, window_bounds = array<i64: 2048, 64>}]} {
    %get3A = arith.constant 0 : index
    %get3A_0 = arith.constant 0 : index
    %get3A_1 = vector.load %arg1[%get3A, %get3A_0] : memref<2048x64xf32, #tpu.memory_space<vmem>>, vector<2048x64xf32>
    %get3A_2 = arith.constant 0 : index
    %get3A_3 = arith.constant 0 : index
    %get3A_4 = arith.constant 0 : index
    %get3A_5 = vector.load %arg2[%get3A_2, %get3A_3, %get3A_4] : memref<2x16x128xf32, #tpu.memory_space<vmem>>, vector<1x16x128xf32>
    %get3A_6 = vector.shape_cast %get3A_5 : vector<1x16x128xf32> to vector<16x128xf32>
    %get3A_7 = arith.constant 1 : index
    %get3A_8 = arith.constant 0 : index
    %get3A_9 = arith.constant 0 : index
    %get3A_10 = vector.load %arg2[%get3A_7, %get3A_8, %get3A_9] : memref<2x16x128xf32, #tpu.memory_space<vmem>>, vector<1x16x128xf32>
    %get3A_11 = vector.shape_cast %get3A_10 : vector<1x16x128xf32> to vector<16x128xf32>
    %add3A = arith.addf %get3A_6, %get3A_11 : vector<16x128xf32>
    %max3A = arith.constant 1.000000e+00 : f32
    %max3A_12 = vector.broadcast %max3A : f32 to vector<16x128xf32>
    %max3A_13 = arith.maximumf %add3A, %max3A_12 : vector<16x128xf32>
    %rsqrt3A = math.rsqrt %max3A_13 : vector<16x128xf32>
    %transpose3A = tpu.transpose %rsqrt3A, [1, 0] : vector<16x128xf32> -> vector<128x16xf32>
    %slice3A = vector.extract_strided_slice %transpose3A {offsets = [0, 0], sizes = [128, 1], strides = [1, 1]} : vector<128x16xf32> to vector<128x1xf32>
    %slice3A_14 = vector.extract_strided_slice %transpose3A {offsets = [0, 1], sizes = [128, 1], strides = [1, 1]} : vector<128x16xf32> to vector<128x1xf32>
    %slice3A_15 = vector.extract_strided_slice %transpose3A {offsets = [0, 2], sizes = [128, 1], strides = [1, 1]} : vector<128x16xf32> to vector<128x1xf32>
    %slice3A_16 = vector.extract_strided_slice %transpose3A {offsets = [0, 3], sizes = [128, 1], strides = [1, 1]} : vector<128x16xf32> to vector<128x1xf32>
    %slice3A_17 = vector.extract_strided_slice %transpose3A {offsets = [0, 4], sizes = [128, 1], strides = [1, 1]} : vector<128x16xf32> to vector<128x1xf32>
    %slice3A_18 = vector.extract_strided_slice %transpose3A {offsets = [0, 5], sizes = [128, 1], strides = [1, 1]} : vector<128x16xf32> to vector<128x1xf32>
    %slice3A_19 = vector.extract_strided_slice %transpose3A {offsets = [0, 6], sizes = [128, 1], strides = [1, 1]} : vector<128x16xf32> to vector<128x1xf32>
    %slice3A_20 = vector.extract_strided_slice %transpose3A {offsets = [0, 7], sizes = [128, 1], strides = [1, 1]} : vector<128x16xf32> to vector<128x1xf32>
    %slice3A_21 = vector.extract_strided_slice %transpose3A {offsets = [0, 8], sizes = [128, 1], strides = [1, 1]} : vector<128x16xf32> to vector<128x1xf32>
    %slice3A_22 = vector.extract_strided_slice %transpose3A {offsets = [0, 9], sizes = [128, 1], strides = [1, 1]} : vector<128x16xf32> to vector<128x1xf32>
    %slice3A_23 = vector.extract_strided_slice %transpose3A {offsets = [0, 10], sizes = [128, 1], strides = [1, 1]} : vector<128x16xf32> to vector<128x1xf32>
    %slice3A_24 = vector.extract_strided_slice %transpose3A {offsets = [0, 11], sizes = [128, 1], strides = [1, 1]} : vector<128x16xf32> to vector<128x1xf32>
    %slice3A_25 = vector.extract_strided_slice %transpose3A {offsets = [0, 12], sizes = [128, 1], strides = [1, 1]} : vector<128x16xf32> to vector<128x1xf32>
    %slice3A_26 = vector.extract_strided_slice %transpose3A {offsets = [0, 13], sizes = [128, 1], strides = [1, 1]} : vector<128x16xf32> to vector<128x1xf32>
    %slice3A_27 = vector.extract_strided_slice %transpose3A {offsets = [0, 14], sizes = [128, 1], strides = [1, 1]} : vector<128x16xf32> to vector<128x1xf32>
    %slice3A_28 = vector.extract_strided_slice %transpose3A {offsets = [0, 15], sizes = [128, 1], strides = [1, 1]} : vector<128x16xf32> to vector<128x1xf32>
    %concatenate3A = tpu.concatenate %slice3A, %slice3A_14, %slice3A_15, %slice3A_16, %slice3A_17, %slice3A_18, %slice3A_19, %slice3A_20, %slice3A_21, %slice3A_22, %slice3A_23, %slice3A_24, %slice3A_25, %slice3A_26, %slice3A_27, %slice3A_28 in 0 : vector<128x1xf32>, vector<128x1xf32>, vector<128x1xf32>, vector<128x1xf32>, vector<128x1xf32>, vector<128x1xf32>, vector<128x1xf32>, vector<128x1xf32>, vector<128x1xf32>, vector<128x1xf32>, vector<128x1xf32>, vector<128x1xf32>, vector<128x1xf32>, vector<128x1xf32>, vector<128x1xf32>, vector<128x1xf32> -> vector<2048x1xf32>
    %mul3A = vector.broadcast %concatenate3A : vector<2048x1xf32> to vector<2048x64xf32>
    %mul3A_29 = arith.mulf %get3A_1, %mul3A : vector<2048x64xf32>
    %swap3A = arith.constant 0 : index
    %swap3A_30 = arith.constant 0 : index
    %swap3A_31 = vector.load %arg3[%swap3A, %swap3A_30] : memref<2048x64xf32, #tpu.memory_space<vmem>>, vector<2048x64xf32>
    tpu.vector_store %arg3[%swap3A, %swap3A_30], %mul3A_29 {strides = array<i32>} : memref<2048x64xf32, #tpu.memory_space<vmem>>, vector<2048x64xf32>,
    return
  }
  func.func @transform_0(%arg0: i32) -> (i32, i32) {
    %c0_i32 = arith.constant 0 : i32
    %c0_i32_0 = arith.constant 0 : i32
    return %arg0, %c0_i32 : i32, i32
  }
  func.func @transform_1(%arg0: i32) -> (i32, i32, i32) {
    %c0_i32 = arith.constant 0 : i32
    %c0_i32_0 = arith.constant 0 : i32
    %c0_i32_1 = arith.constant 0 : i32
    return %c0_i32, %arg0, %c0_i32_0 : i32, i32, i32
  }
  func.func @transform_2(%arg0: i32) -> (i32, i32) {
    %c0_i32 = arith.constant 0 : i32
    %c0_i32_0 = arith.constant 0 : i32
    return %arg0, %c0_i32 : i32, i32
  }
}

module attributes {stable_mosaic.version = 14 : i64} {
  func.func @_mm_body(%arg0: i32, %arg1: memref<2048x128xf32, #tpu.memory_space<vmem>>, %arg2: memref<128x64xf32, #tpu.memory_space<vmem>>, %arg3: memref<2048x64xf32, #tpu.memory_space<vmem>>) attributes {dimension_semantics = [#tpu.dimension_semantics<arbitrary>], iteration_bounds = array<i64: 5>, scalar_prefetch = 0 : i64, scratch_operands = 0 : i64, tpu.core_type = #tpu.core_type<tc>, window_params = [{transform_indices = @transform_0, window_bounds = array<i64: 2048, 128>}, {pipeline_mode = #tpu.pipeline_mode<synchronous>, transform_indices = @transform_1, window_bounds = array<i64: 128, 64>}, {transform_indices = @transform_2, window_bounds = array<i64: 2048, 64>}]} {
    %get3A = arith.constant 0 : index
    %get3A_0 = arith.constant 0 : index
    %get3A_1 = vector.load %arg1[%get3A, %get3A_0] : memref<2048x128xf32, #tpu.memory_space<vmem>>, vector<2048x128xf32>
    %get3A_2 = arith.constant 0 : index
    %get3A_3 = arith.constant 0 : index
    %get3A_4 = vector.load %arg2[%get3A_2, %get3A_3] : memref<128x64xf32, #tpu.memory_space<vmem>>, vector<128x64xf32>
    %dot_general3A = arith.constant dense<0.000000e+00> : vector<2048x64xf32>
    %dot_general3A_5 = tpu.matmul %get3A_1, %get3A_4, %dot_general3A {dimension_numbers = #tpu.dot_dimension_numbers<[1], [0], [0], [1], [0, 0, 1, 1], [], []>, transpose_lhs_hint = false} : vector<2048x128xf32>, vector<128x64xf32>, vector<2048x64xf32> -> vector<2048x64xf32>
    %swap3A = arith.constant 0 : index
    %swap3A_6 = arith.constant 0 : index
    %swap3A_7 = vector.load %arg3[%swap3A, %swap3A_6] : memref<2048x64xf32, #tpu.memory_space<vmem>>, vector<2048x64xf32>
    tpu.vector_store %arg3[%swap3A, %swap3A_6], %dot_general3A_5 {strides = array<i32>} : memref<2048x64xf32, #tpu.memory_space<vmem>>, vector<2048x64xf32>,
    return
  }
  func.func @transform_0(%arg0: i32) -> (i32, i32) {
    %c0_i32 = arith.constant 0 : i32
    %c0_i32_0 = arith.constant 0 : i32
    return %arg0, %c0_i32 : i32, i32
  }
  func.func @transform_1(%arg0: i32) -> (i32, i32) {
    %c0_i32 = arith.constant 0 : i32
    %c0_i32_0 = arith.constant 0 : i32
    %c0_i32_1 = arith.constant 0 : i32
    return %c0_i32, %c0_i32_0 : i32, i32
  }
  func.func @transform_2(%arg0: i32) -> (i32, i32) {
    %c0_i32 = arith.constant 0 : i32
    %c0_i32_0 = arith.constant 0 : i32
    return %arg0, %c0_i32 : i32, i32
  }
}

module attributes {stable_mosaic.version = 14 : i64} {
  func.func @_fin_body(%arg0: i32, %arg1: memref<2x2048x64xf32, #tpu.memory_space<vmem>>, %arg2: memref<2x16x128xf32, #tpu.memory_space<vmem>>, %arg3: memref<1x64xf32, #tpu.memory_space<vmem>>, %arg4: memref<2048x64xf32, #tpu.memory_space<vmem>>) attributes {dimension_semantics = [#tpu.dimension_semantics<arbitrary>], iteration_bounds = array<i64: 5>, scalar_prefetch = 0 : i64, scratch_operands = 0 : i64, tpu.core_type = #tpu.core_type<tc>, window_params = [{transform_indices = @transform_0, window_bounds = array<i64: 2, 2048, 64>}, {transform_indices = @transform_1, window_bounds = array<i64: 2, 16, 128>}, {pipeline_mode = #tpu.pipeline_mode<synchronous>, transform_indices = @transform_2, window_bounds = array<i64: 1, 64>}, {transform_indices = @transform_3, window_bounds = array<i64: 2048, 64>}]} {
    %get3A = arith.constant 0 : index
    %get3A_0 = arith.constant 0 : index
    %get3A_1 = arith.constant 0 : index
    %get3A_2 = vector.load %arg1[%get3A, %get3A_0, %get3A_1] : memref<2x2048x64xf32, #tpu.memory_space<vmem>>, vector<1x2048x64xf32>
    %get3A_3 = vector.shape_cast %get3A_2 : vector<1x2048x64xf32> to vector<2048x64xf32>
    %get3A_4 = arith.constant 1 : index
    %get3A_5 = arith.constant 0 : index
    %get3A_6 = arith.constant 0 : index
    %get3A_7 = vector.load %arg1[%get3A_4, %get3A_5, %get3A_6] : memref<2x2048x64xf32, #tpu.memory_space<vmem>>, vector<1x2048x64xf32>
    %get3A_8 = vector.shape_cast %get3A_7 : vector<1x2048x64xf32> to vector<2048x64xf32>
    %add3A = arith.addf %get3A_3, %get3A_8 : vector<2048x64xf32>
    %get3A_9 = arith.constant 0 : index
    %get3A_10 = arith.constant 0 : index
    %get3A_11 = arith.constant 0 : index
    %get3A_12 = vector.load %arg2[%get3A_9, %get3A_10, %get3A_11] : memref<2x16x128xf32, #tpu.memory_space<vmem>>, vector<1x16x128xf32>
    %get3A_13 = vector.shape_cast %get3A_12 : vector<1x16x128xf32> to vector<16x128xf32>
    %get3A_14 = arith.constant 1 : index
    %get3A_15 = arith.constant 0 : index
    %get3A_16 = arith.constant 0 : index
    %get3A_17 = vector.load %arg2[%get3A_14, %get3A_15, %get3A_16] : memref<2x16x128xf32, #tpu.memory_space<vmem>>, vector<1x16x128xf32>
    %get3A_18 = vector.shape_cast %get3A_17 : vector<1x16x128xf32> to vector<16x128xf32>
    %add3A_19 = arith.addf %get3A_13, %get3A_18 : vector<16x128xf32>
    %max3A = arith.constant 1.000000e+00 : f32
    %max3A_20 = vector.broadcast %max3A : f32 to vector<16x128xf32>
    %max3A_21 = arith.maximumf %add3A_19, %max3A_20 : vector<16x128xf32>
    %rsqrt3A = math.rsqrt %max3A_21 : vector<16x128xf32>
    %transpose3A = tpu.transpose %rsqrt3A, [1, 0] : vector<16x128xf32> -> vector<128x16xf32>
    %slice3A = vector.extract_strided_slice %transpose3A {offsets = [0, 0], sizes = [128, 1], strides = [1, 1]} : vector<128x16xf32> to vector<128x1xf32>
    %slice3A_22 = vector.extract_strided_slice %transpose3A {offsets = [0, 1], sizes = [128, 1], strides = [1, 1]} : vector<128x16xf32> to vector<128x1xf32>
    %slice3A_23 = vector.extract_strided_slice %transpose3A {offsets = [0, 2], sizes = [128, 1], strides = [1, 1]} : vector<128x16xf32> to vector<128x1xf32>
    %slice3A_24 = vector.extract_strided_slice %transpose3A {offsets = [0, 3], sizes = [128, 1], strides = [1, 1]} : vector<128x16xf32> to vector<128x1xf32>
    %slice3A_25 = vector.extract_strided_slice %transpose3A {offsets = [0, 4], sizes = [128, 1], strides = [1, 1]} : vector<128x16xf32> to vector<128x1xf32>
    %slice3A_26 = vector.extract_strided_slice %transpose3A {offsets = [0, 5], sizes = [128, 1], strides = [1, 1]} : vector<128x16xf32> to vector<128x1xf32>
    %slice3A_27 = vector.extract_strided_slice %transpose3A {offsets = [0, 6], sizes = [128, 1], strides = [1, 1]} : vector<128x16xf32> to vector<128x1xf32>
    %slice3A_28 = vector.extract_strided_slice %transpose3A {offsets = [0, 7], sizes = [128, 1], strides = [1, 1]} : vector<128x16xf32> to vector<128x1xf32>
    %slice3A_29 = vector.extract_strided_slice %transpose3A {offsets = [0, 8], sizes = [128, 1], strides = [1, 1]} : vector<128x16xf32> to vector<128x1xf32>
    %slice3A_30 = vector.extract_strided_slice %transpose3A {offsets = [0, 9], sizes = [128, 1], strides = [1, 1]} : vector<128x16xf32> to vector<128x1xf32>
    %slice3A_31 = vector.extract_strided_slice %transpose3A {offsets = [0, 10], sizes = [128, 1], strides = [1, 1]} : vector<128x16xf32> to vector<128x1xf32>
    %slice3A_32 = vector.extract_strided_slice %transpose3A {offsets = [0, 11], sizes = [128, 1], strides = [1, 1]} : vector<128x16xf32> to vector<128x1xf32>
    %slice3A_33 = vector.extract_strided_slice %transpose3A {offsets = [0, 12], sizes = [128, 1], strides = [1, 1]} : vector<128x16xf32> to vector<128x1xf32>
    %slice3A_34 = vector.extract_strided_slice %transpose3A {offsets = [0, 13], sizes = [128, 1], strides = [1, 1]} : vector<128x16xf32> to vector<128x1xf32>
    %slice3A_35 = vector.extract_strided_slice %transpose3A {offsets = [0, 14], sizes = [128, 1], strides = [1, 1]} : vector<128x16xf32> to vector<128x1xf32>
    %slice3A_36 = vector.extract_strided_slice %transpose3A {offsets = [0, 15], sizes = [128, 1], strides = [1, 1]} : vector<128x16xf32> to vector<128x1xf32>
    %concatenate3A = tpu.concatenate %slice3A, %slice3A_22, %slice3A_23, %slice3A_24, %slice3A_25, %slice3A_26, %slice3A_27, %slice3A_28, %slice3A_29, %slice3A_30, %slice3A_31, %slice3A_32, %slice3A_33, %slice3A_34, %slice3A_35, %slice3A_36 in 0 : vector<128x1xf32>, vector<128x1xf32>, vector<128x1xf32>, vector<128x1xf32>, vector<128x1xf32>, vector<128x1xf32>, vector<128x1xf32>, vector<128x1xf32>, vector<128x1xf32>, vector<128x1xf32>, vector<128x1xf32>, vector<128x1xf32>, vector<128x1xf32>, vector<128x1xf32>, vector<128x1xf32>, vector<128x1xf32> -> vector<2048x1xf32>
    %mul3A = vector.broadcast %concatenate3A : vector<2048x1xf32> to vector<2048x64xf32>
    %mul3A_37 = arith.mulf %add3A, %mul3A : vector<2048x64xf32>
    %get3A_38 = arith.constant 0 : index
    %get3A_39 = arith.constant 0 : index
    %get3A_40 = vector.load %arg3[%get3A_38, %get3A_39] : memref<1x64xf32, #tpu.memory_space<vmem>>, vector<1x64xf32>
    %get3A_41 = vector.shape_cast %get3A_40 : vector<1x64xf32> to vector<64xf32>
    %broadcast_in_dim3A = vector.shape_cast %get3A_41 : vector<64xf32> to vector<1x64xf32>
    %add3A_42 = vector.broadcast %broadcast_in_dim3A : vector<1x64xf32> to vector<2048x64xf32>
    %add3A_43 = arith.addf %mul3A_37, %add3A_42 : vector<2048x64xf32>
    %swap3A = arith.constant 0 : index
    %swap3A_44 = arith.constant 0 : index
    %swap3A_45 = vector.load %arg4[%swap3A, %swap3A_44] : memref<2048x64xf32, #tpu.memory_space<vmem>>, vector<2048x64xf32>
    tpu.vector_store %arg4[%swap3A, %swap3A_44], %add3A_43 {strides = array<i32>} : memref<2048x64xf32, #tpu.memory_space<vmem>>, vector<2048x64xf32>,
    return
  }
  func.func @transform_0(%arg0: i32) -> (i32, i32, i32) {
    %c0_i32 = arith.constant 0 : i32
    %c0_i32_0 = arith.constant 0 : i32
    %c0_i32_1 = arith.constant 0 : i32
    return %c0_i32, %arg0, %c0_i32_0 : i32, i32, i32
  }
  func.func @transform_1(%arg0: i32) -> (i32, i32, i32) {
    %c0_i32 = arith.constant 0 : i32
    %c0_i32_0 = arith.constant 0 : i32
    %c0_i32_1 = arith.constant 0 : i32
    return %c0_i32, %arg0, %c0_i32_0 : i32, i32, i32
  }
  func.func @transform_2(%arg0: i32) -> (i32, i32) {
    %c0_i32 = arith.constant 0 : i32
    %c0_i32_0 = arith.constant 0 : i32
    %c0_i32_1 = arith.constant 0 : i32
    return %c0_i32, %c0_i32_0 : i32, i32
  }
  func.func @transform_3(%arg0: i32) -> (i32, i32) {
    %c0_i32 = arith.constant 0 : i32
    %c0_i32_0 = arith.constant 0 : i32
    return %arg0, %c0_i32 : i32, i32
  }
}

</mosaic_0001>

<sc_bundles>
// kernel: kernel.10.cloned.1.call-start
scs
__scs_entry_jumppad:
0x0: {  	(pc) =	sbr.rel $0x88, $3  }
0x1: {  	(tag) =	ssettag $0x0;
	lr =	simm.s32 $0x1  }
0x2: {  	[smem:$0x3F9D] =	sst lr;
	_ =	strace $0xD0000000  }
0x3: {  	_ = 	snop  }
0x4: {  	_ = 	snop  }
0x5: {  	_ = 	snop  }
0x6: {  	_ = 	snop  }
0x7: {  	_ = 	snop  }
__scs_overlays_trampoline_lowered:
0x8: {  	[smem:$0x3FAC] =	sst s0  }
0x9: {  	[smem:$0x3FAD] =	sst s1  }
0xa: {  	[smem:$0x3FAE] =	sst s2  }
0xb: {  	[smem:$0x3FAF] =	sst s3  }
0xc: {  	[smem:$0x3FB0] =	sst s4  }
0xd: {  	[smem:$0x3FB1] =	sst s5  }
0xe: {  	[smem:$0x3FB2] =	sst s6  }
0xf: {  	[smem:$0x3FB3] =	sst s7  }
0x10: {  	[smem:$0x3FB4] =	sst s8  }
0x11: {  	[smem:$0x3FB5] =	sst s9;
	s0 =	simm.s32 @!p0 $0x0  }
0x12: {  	s1 =	sld [smem:$0x3F9B];
	s0 =	simm.s32 @p0 $0x1  }
0x13: {  	[smem:$0x3FB6] =	sst s0;
	s0 =	simm.s32 @!p1 $0x0  }
0x14: {  	s2 =	sld [smem:$0x3F9A];
	s0 =	simm.s32 @p1 $0x1  }
0x15: {  	[smem:$0x3FB7] =	sst s0;
	s0 =	simm.s32 @!p2 $0x0  }
0x16: {  	s3 =	sld [smem:$0x3FDB];
	s0 =	simm.s32 @p2 $0x1  }
0x17: {  	s4 =	simm.s32 $0x1BF5;
	[smem:$0x3FB9] =	sst s0  }
0x18: {  	s0 =	sld [smem:$0x3F9C];
	_ =	swait.ge [sflag:s4], $0x0  }
0x19: {  	s7 =	sld [smem:$0x3F9D]  }
0x1a: {  	s8 =	sadd.s32 $0xFFFFE003, lr  }
0x1b: {  	s9 =	sadd.s32 $0xFFFFFEF7, lr;
	s5 =	simm.s32 $0xFFFFFFFF;
	p2 =	slt.u32 s8, $0xFFFFF086  }
0x1c: {  	p1 =	slt.u32 s9, $0xF7A;
	s5 =	simm.s32 @!p2 $0x0  }
0x1d: {  	s5 =	simm.s32 @p1 $0x1;
	p0 =	seq.s32 s7, s2  }
0x1e: {  	s7 =	smul.u32 @!p0 $0xF7A, s2;
	p2 =	seq.s32 @!p0 s5, $0x0  }
0x1f: {  	s9 =	smul.u32 $0xF7A, s1;
	s8 =	simm.s32 @!p0 $0x1BF5;
	p2 =	por !p2, p0  }
0x20: {  	[sflag:s8] =	ssyncset.s32 @!p0 $0xFFFFF086;
	s6 =	sadd.s32 @!p0 s3, s7;
	s7 =	simm.s32 @!p0 $0x108  }
0x21: {  	s3 =	sadd.s32 s3, s9;
	s6 =	sadd.s32 @!p0 $0x88, s6;
	s7 =	simm.s32 @p2 $0x1082  }
0x22: {  	[simem:s7], [sflag:s8] =	dma.local @!p0 [hbm:s6], $0xF7A  }
0x23: {  	s9 =	sor.u32 $0xD0000000, s2;
	s6 =	simm.s32 $0x108;
	_ =	swait.ge @!p0 [sflag:s8], $0x0  }
0x24: {  	s3 =	sadd.s32 $0x88, s3;
	s6 =	simm.s32 @!p1 $0x1082;
	[sflag:s4] =	ssyncset.s32 $0xFFFFF086  }
0x25: {  	[simem:s6], [sflag:s4] =	dma.local [hbm:s3], $0xF7A  }
0x26: {  	[smem:$0x3F9D] =	sst s1;
	(tag) =	ssettag s2;
	_ =	strace s9  }
0x27: {  	s1 =	sld [smem:$0x3FAD]  }
0x28: {  	s2 =	sld [smem:$0x3FAE]  }
0x29: {  	s4 =	sld [smem:$0x3FB0]  }
0x2a: {  	p0 =	seq.s32 s5, $0x0;
	s5 =	sld [smem:$0x3FB1]  }
0x2b: {  	s6 =	sld [smem:$0x3FB2]  }
0x2c: {  	s7 =	sld [smem:$0x3FB3]  }
0x2d: {  	s3 =	simm.s32 $0x108;
	s8 =	sld [smem:$0x3FB4]  }
0x2e: {  	s3 =	simm.s32 @!p0 $0x1082;
	s9 =	sld [smem:$0x3FB5]  }
0x2f: {  	lr =	sadd.s32 s0, s3;
	s0 =	sld [smem:$0x3FAC]  }
0x30: {  	s3 =	sld [smem:$0x3FAF]  }
0x31: {  	[smem:$0x3FB8] =	sst s10  }
0x32: {  	s10 =	sld [smem:$0x3FB6];
	_ =	sdelay $0x3  }
0x33: {  	p0 =	seq.s32 s10, $0x1;
	s10 =	sld [smem:$0x3FB8];
	_ =	sdelay $0x3  }
0x34: {  	[smem:$0x3FB8] =	sst s10  }
0x35: {  	s10 =	sld [smem:$0x3FB7];
	_ =	sdelay $0x3  }
0x36: {  	p1 =	seq.s32 s10, $0x1;
	s10 =	sld [smem:$0x3FB8];
	_ =	sdelay $0x3  }
0x37: {  	[smem:$0x3FB8] =	sst s10  }
0x38: {  	s10 =	sld [smem:$0x3FB9]  }
0x39: {  	_ = 	snop;
	(pc) =	sbr.ind lr, $3  }
0x3a: {  	_ = 	snop  }
0x3b: {  	_ = 	snop  }
0x3c: {  	p2 =	seq.s32 s10, $0x1;
	s10 =	sld [smem:$0x3FB8]  }
0x3d: {  	_ =	shalt  }
0x3e: {  	_ =	shalt  }
0x3f: {  	_ =	shalt  }
0x40: {  	_ =	shalt  }
0x41: {  	_ =	shalt  }
0x42: {  	_ =	shalt  }
0x43: {  	_ =	shalt  }
0x44: {  	_ =	shalt  }
0x45: {  	_ =	shalt  }
0x46: {  	_ =	shalt  }
0x47: {  	_ =	shalt  }
0x48: {  	_ =	shalt  }
0x49: {  	_ =	shalt  }
0x4a: {  	_ =	shalt  }
0x4b: {  	_ =	shalt  }
0x4c: {  	_ =	shalt  }
0x4d: {  	_ =	shalt  }
0x4e: {  	_ =	shalt  }
0x4f: {  	_ =	shalt  }
0x50: {  	_ =	shalt  }
0x51: {  	_ =	shalt  }
0x52: {  	_ =	shalt  }
0x53: {  	_ =	shalt  }
0x54: {  	_ =	shalt  }
0x55: {  	_ =	shalt  }
0x56: {  	_ =	shalt  }
0x57: {  	_ =	shalt  }
0x58: {  	_ =	shalt  }
0x59: {  	_ =	shalt  }
0x5a: {  	_ =	shalt  }
0x5b: {  	_ =	shalt  }
0x5c: {  	_ =	shalt  }
0x5d: {  	_ =	shalt  }
0x5e: {  	_ =	shalt  }
0x5f: {  	_ =	shalt  }
0x60: {  	_ =	shalt  }
0x61: {  	_ =	shalt  }
0x62: {  	_ =	shalt  }
0x63: {  	_ =	shalt  }
0x64: {  	_ =	shalt  }
0x65: {  	_ =	shalt  }
0x66: {  	_ =	shalt  }
0x67: {  	_ =	shalt  }
0x68: {  	_ =	shalt  }
0x69: {  	_ =	shalt  }
0x6a: {  	_ =	shalt  }
0x6b: {  	_ =	shalt  }
0x6c: {  	_ =	shalt  }
0x6d: {  	_ =	shalt  }
0x6e: {  	_ =	shalt  }
0x6f: {  	_ =	shalt  }
0x70: {  	_ =	shalt  }
0x71: {  	_ =	shalt  }
0x72: {  	_ =	shalt  }
0x73: {  	_ =	shalt  }
0x74: {  	_ =	shalt  }
0x75: {  	_ =	shalt  }
0x76: {  	_ =	shalt  }
0x77: {  	_ =	shalt  }
0x78: {  	_ =	shalt  }
0x79: {  	_ =	shalt  }
0x7a: {  	_ =	shalt  }
0x7b: {  	_ =	shalt  }
0x7c: {  	_ =	shalt  }
0x7d: {  	_ =	shalt  }
0x7e: {  	_ =	shalt  }
0x7f: {  	_ =	shalt  }
0x80: {  	_ =	shalt  }
0x81: {  	_ =	shalt  }
0x82: {  	_ =	shalt  }
0x83: {  	_ =	shalt  }
0x84: {  	_ =	shalt  }
0x85: {  	_ =	shalt  }
0x86: {  	_ =	shalt  }
0x87: {  	_ =	shalt  }
.Lfunc_end0:
.L_simem_size_0:
called_computation.1_lowered:
.L_overlay_start_0:
0x88: {  	s2 =	sld [smem:$0x3FD9]  }
0x89: {  	s3 =	sld [smem:$0x3FFE];
	_ =	sdelay $0x1  }
0x8a: {  	s1 =	srdreg.scid  }
0x8b: {  	s0 =	sand.u32 $0x1, s1  }
0x8c: {  	s17 =	sshll.u32 s0, $0xA;
	s2 =	sadd.s32 s3, s2  }
0x8d: {  	s2 =	sadd.s32 s2, s17  }
0x8e: {  	[smem:$0x3FC4] =	sst s2  }
0x8f: {  	_ = 	snop  }
0x90: {  	s2 =	sld [smem:$0x3FD0];
	(tm) =	ssettm $0x1  }
0x91: {  	s18 =	sld [smem:$0x3FFB];
	_ =	sdelay $0x3  }
0x92: {  	_ =	strace s18  }
0x93: {  	s3 =	sld [smem:$0x3FFC];
	_ =	sdelay $0x3  }
0x94: {  	_ =	strace s3  }
0x95: {  	s3 =	sld [smem:$0x3FFD];
	_ =	sdelay $0x3  }
0x96: {  	_ =	strace s3  }
0x97: {  	_ =	strace $0x8FFFFFFF  }
0x98: {  	s19 =	sld [smem:$0x3FDB];
	_ =	sdelay $0x1  }
0x99: {  	s4 =	simm.s32 $_scs_section_size  }
0x9a: {  	s5 =	simm.s32 $_size__tile_overlayer_lowered;
	s6 =	simm.s32 $_tile_overlayer_lowered  }
0x9b: {  	s22 =	simm.s32 $0x1BFF;
	s21 =	sshll.u32 s6, $0x1;
	s3 =	sadd.s32 s4, s19  }
0x9c: {  	s7 =	simm.s32 $0x0;
	s20 =	sshll.u32 s5, $0x1;
	s5 =	sadd.s32 s21, s3  }
0x9d: {  	[timem:s7], [sflag:s22] =	dma.local [hbm:s5], s20  }
0x9e: {  	_ =	swait.ge [sflag:s22], s20  }
0x9f: {  	s4 =	ssub.s32 $0x0, s20;
	[sflag:s22] =	ssyncset.done $0x0  }
0xa0: {  	[sflag:s22] =	ssyncadd.s32 s4;
	_ =	sdelay $0x1  }
0xa1: {  	s23 =	simm.s32 $0x1B8B  }
0xa2: {  	_ =	swait.ge [sflag:s23], $0x1  }
0xa3: {  	[sflag:s23] =	ssyncset.done $0x0  }
0xa4: {  	s25 =	simm.s32 $0x1B8E;
	s24 =	sld [smem:$0x3FFE];
	[sflag:s23] =	ssyncadd.s32 $0xFFFFFFFF  }
0xa5: {  	s26 =	simm.s32 $execute0_lowered;
	[smem:$0x3FD2] =	sst s25  }
0xa6: {  	s5 =	sshll.u32 s26, $0x1;
	_ =	strace $0x80000049;
	[dreg:$0x1] =	wrdreg $0xFFFFFFFF  }
0xa7: {  	s28 =	simm.s32 $_size_execute0_lowered;
	s3 =	sadd.s32 s3, s5;
	[dreg:$0x0] =	wrdreg $0x0  }
0xa8: {  	s5 =	sshll.u32 s28, $0x1;
	[dreg:$0x2] =	wrdreg s3  }
0xa9: {  	[dreg:$0x3] =	wrdreg s5  }
0xaa: {  	[dreg:$0x4] =	wrdreg $0xC0  }
0xab: {  	_ =	task [dreg:s7], $0x5FFFF  }
0xac: {  	[dreg:$0x1] =	wrdreg $0xFFFFFFFF  }
0xad: {  	[dreg:$0x0] =	wrdreg $0x60  }
0xae: {  	[dreg:$0x2] =	wrdreg s24  }
0xaf: {  	[dreg:$0x3] =	wrdreg s2  }
0xb0: {  	[dreg:$0x4] =	wrdreg $0xCF000  }
0xb1: {  	[dreg:$0x5] =	wrdreg $0x9  }
0xb2: {  	_ =	task.clear_ibuf [dreg:s7], $0x6FFFF;
	_ =	strace $0x90000049  }
0xb3: {  	s29 =	simm.s32 $0x9;
	_ =	strace $0x8000004B  }
0xb4: {  	_ =	swait.ge [sflag:s29], $0x1  }
0xb5: {  	[sflag:s29] =	ssyncadd.s32 $0xFFFFFFFF  }
0xb6: {  	_ =	strace $0x9000004B  }
0xb7: {  	_ =	sfence  }
0xb8: {  	s30 =	sld [smem:$0x0];
	_ =	sdelay $0x2  }
0xb9: {  	s31 =	sshll.u32 s1, $0xD;
	s1 =	sshrl.u32 s1, $0x2  }
0xba: {  	s3 =	sand.u32 $0x4000, s31;
	s1 =	sadd.s32 s1, s30  }
0xbb: {  	s0 =	sor.u32 s3, s0;
	s1 =	sshll.u32 s1, $0x11  }
0xbc: {  	s0 =	sor.u32 s1, s0  }
0xbd: {  	s0 =	sadd.s32 $0x8F2B, s0  }
0xbe: {  	[sflag:s0] =	ssyncadd.remote.s32 $0x1  }
0xbf: {  	_ =	sfence.sel $0xFFFF  }
0xc0: {  	[dreg:$0x0] =	wrdreg $0xFFFFFFFF;
	(pc) =	sbr.abs _section_cstart, $3  }
0xc1: {  	[dreg:$0x1] =	wrdreg $0xFFFFFFFF  }
0xc2: {  	_ =	task.clear_ibuf [dreg:s7], $0x2FFFF;
	_ =	strace $0x9FFFFFFF  }
0xc3: {  	(tm) =	ssettm $0x7FFFFFFF  }
tec
execute0_lowered:
.L_overlay_start_1:
0x0: {  	(tag) =	ssettag $0x1  }
0x1: {  	s1 =	rddreg [dreg:$0x0]  }
0x2: {  	s0 =	srdreg.scid;
	s5 =	rddreg [dreg:$0x1]  }
0x3: {  	s10 =	stileid.u32;
	s2 =	rddreg [dreg:$0x2];
	s20 =	simm.s32 $0x4F00  }
0x4: {  	s21 =	simm.s32 $0xA;
	s22 =	simm.s32 $0x9;
	s29 =	simm.s32 $0xAF00  }
0x5: {  	s30 =	simm.s32 $0x1;
	s31 =	simm.s32 $0x2;
	s19 =	simm.s32 $0x5  }
0x6: {  	s28 =	simm.s32 $0x7;
	s0 =	sand.u32 $0x1, s0;
	s4 =	sadd.s32 $0x1600, s1  }
0x7: {  	s1 =	sadd.s32 $0x15000, s1;
	s12 =	smul.u32 $0xA000, s10;
	s3 =	sshll.u32 s0, $0x4  }
0x8: {  	s23 =	ssub.s32 $0x2, s0;
	s0 =	smul.u32 $0xA0000, s0;
	s6 =	sor.u32 s10, s3  }
0x9: {  	s3 =	simm.s32 $0x0;
	s9 =	sshrl.u32 s23, $0x1;
	s24 =	sadd.s32 $0x2000, s12  }
0xa: {  	s14 =	sadd.s32 $0x4000, s12;
	s15 =	sadd.s32 $0x6000, s12;
	s16 =	sadd.s32 $0x8000, s12  }
0xb: {  	s7 =	smul.u32 $0x4E, s6;
	[smem:$0x7FF] =	sst s3;
	s8 =	smax.u32 s6, $0x1C  }
0xc: {  	s13 =	ssub.s32 s23, s9;
	p0 =	sgt.u32 s6, $0x1B;
	s9 =	sadd.s32 s14, s2  }
0xd: {  	s10 =	sadd.s32 s15, s2;
	s11 =	sadd.s32 s16, s2;
	s17 =	sadd.s32 s12, s0  }
0xe: {  	s25 =	sadd.s32 s0, s14;
	s26 =	sadd.s32 s0, s15;
	s7 =	sadd.s32 s7, s8  }
0xf: {  	s23 =	simm.s32 $0x80;
	s17 =	sshrl.u32 s17, $0x3;
	s7 =	sshll.u32 s7, $0x4  }
0x10: {  	_ =	strace $0x8000004A;
	s17 =	sadd.s32 s1, s17;
	s5 =	sadd.s32 s5, s7  }
0x11: {  	s14 =	sshrl.u32 s26, $0x3;
	[dreg:$0x6] =	wrdreg s17;
	s7 =	sadd.s32 $0xFFFFFE40, s5  }
0x12: {  	s18 =	smax.u32 s13, $0x1;
	s5 =	sadd.s32 $0x9A80, s5;
	[dreg:$0x4] =	wrdreg s7  }
0x13: {  	s26 =	simm.s32 $0x8F00;
	s8 =	sadd.s32 s24, s2;
	[dreg:$0x5] =	wrdreg s5  }
0x14: {  	s7 =	sadd.s32 s12, s2;
	s12 =	simm.s32 $0x2700;
	s5 =	sadd.s32 s0, s24  }
0x15: {  	s0 =	sadd.s32 s0, s16;
	s16 =	sadd.s32 s1, s14;
	s24 =	simm.s32 $0x6F00  }
0x16: {  	s12 =	simm.s32 @!p0 $0x2680;
	s5 =	sshrl.u32 s5, $0x3;
	s0 =	sshrl.u32 s0, $0x3  }
0x17: {  	p0 =	slt.u32 s6, $0x1C;
	s6 =	simm.s32 $0x0;
	s5 =	sadd.s32 s1, s5  }
0x18: {  	s17 =	sadd.s32 s1, s0;
	[dreg:$0x7] =	wrdreg s5;
	s5 =	sshrl.u32 s25, $0x3  }
0x19: {  	s0 =	simm.s32 $0x4;
	s25 =	simm.s32 $0x6;
	s5 =	sadd.s32 s1, s5  }
0x1a: {  	v0 =	vimm.f32 $0.0e+00;
	s1 =	simm.s32 $0x3;
	[dreg:$0x8] =	wrdreg s5;
	s5 =	simm.s32 $0x8  }
.LBB2_1:
0x1b: {  	s13 =	rddreg [dreg:$0x4]  }
0x1c: {  	[tilespmem:s3], [sflag:$0x9] =	stream.linear.gather [hbm4b:s13+s3], $0x2780, $0x38;
	[tilespmem:$0x16F00] =	vst v63  }
0x1d: {  	s15 =	rddreg [dreg:$0x5];
	s14 =	simm.s32 $0x2780  }
0x1e: {  	[tilespmem:s14], [sflag:$0x9] =	stream.linear.gather [hbm4b:s15+s3], $0x2780, $0x38;
	[tilespmem:$0x16F00] =	vst v63  }
0x1f: {  	s13 =	simm.s32 $0x0;
	s14 =	simm.s32 $0x100  }
.LBB2_2:
0x20: {  	p1 =	sne.s32 s14, $0x7F00;
	[tilespmem:s13+$0x4F30] =	vst v0;
	s15 =	smov.u32 s14;
	s14 =	sadd.s32 $0x100, s14  }
.Ltmp0:
0x21: {  	[tilespmem:s13+$0x4F20] =	vst v0;
	(pc) =	sbr.rel @p1 .LBB2_2-.Ltmp0, $3  }
0x22: {  	[tilespmem:s13+$0x4F00] =	vst v0  }
0x23: {  	[tilespmem:s13+$0x4F10] =	vst v0;
	_ =	sdelay $0x1  }
0x24: {  	s13 =	sshra.s32 s15, $0x2  }
0x25: {  	[tilespmem:s13+$0x4F30] =	vst v0  }
0x26: {  	[tilespmem:s13+$0x4F20] =	vst v0  }
0x27: {  	[tilespmem:s13+$0x4F00] =	vst v0  }
0x28: {  	[tilespmem:s13+$0x4F10] =	vst v0  }
0x29: {  	[spmem:s7] =	stream.linear.scatter [tilespmem:s20], [sflag:$0xA], $0x2000, $0x38;
	[tilespmem:$0x16F00] =	vst v63  }
0x2a: {  	_ =	swait.ge [sflag:s21], $0x2000  }
0x2b: {  	[sflag:s21] =	ssyncset.done $0x0  }
0x2c: {  	[sflag:s21] =	ssyncadd.s32 $0xFFFFE000  }
0x2d: {  	[spmem:s8] =	stream.linear.scatter [tilespmem:s20], [sflag:$0xA], $0x2000, $0x38;
	[tilespmem:$0x16F00] =	vst v63  }
0x2e: {  	_ =	swait.ge [sflag:s21], $0x2000  }
0x2f: {  	[sflag:s21] =	ssyncset.done $0x0  }
0x30: {  	[sflag:s21] =	ssyncadd.s32 $0xFFFFE000  }
0x31: {  	[spmem:s9] =	stream.linear.scatter [tilespmem:s20], [sflag:$0xA], $0x2000, $0x38;
	[tilespmem:$0x16F00] =	vst v63  }
0x32: {  	_ =	swait.ge [sflag:s21], $0x2000  }
0x33: {  	[sflag:s21] =	ssyncset.done $0x0  }
0x34: {  	[sflag:s21] =	ssyncadd.s32 $0xFFFFE000  }
0x35: {  	[spmem:s10] =	stream.linear.scatter [tilespmem:s20], [sflag:$0xA], $0x2000, $0x38;
	[tilespmem:$0x16F00] =	vst v63  }
0x36: {  	_ =	swait.ge [sflag:s21], $0x2000  }
0x37: {  	[sflag:s21] =	ssyncset.done $0x0  }
0x38: {  	[sflag:s21] =	ssyncadd.s32 $0xFFFFE000  }
0x39: {  	[spmem:s11] =	stream.linear.scatter [tilespmem:s20], [sflag:$0xA], $0x2000, $0x38;
	[tilespmem:$0x16F00] =	vst v63  }
0x3a: {  	_ =	swait.ge [sflag:s21], $0x2000  }
0x3b: {  	[sflag:s21] =	ssyncset.done $0x0  }
0x3c: {  	[sflag:s21] =	ssyncadd.s32 $0xFFFFE000  }
0x3d: {  	_ =	swait.ge [sflag:s22], $0x2780  }
0x3e: {  	[sflag:s22] =	ssyncset.done $0x0  }
0x3f: {  	[sflag:s22] =	ssyncadd.s32 $0xFFFFD880  }
0x40: {  	_ =	swait.ge [sflag:s22], $0x2780  }
0x41: {  	[sflag:s22] =	ssyncset.done $0x0  }
0x42: {  	s14 =	simm.s32 $0x0;
	[sflag:s22] =	ssyncadd.s32 $0xFFFFD880  }
0x43: {  	[tilespmem:s20], [sflag:$0x1] =	stream.indirect.gather [hbm4b:s4+s23], $0x40, s14, s23, $0xb8;
	[tilespmem:$0x16F00] =	vst v63  }
0x44: {  	_ = 	snop  }
0x45: {  	[tilespmem:s24], [sflag:$0x2] =	stream.indirect.gather [hbm4b:s4+s23], $0x40, s23, s23, $0xb8;
	[tilespmem:$0x16F00] =	vst v63  }
0x46: {  	s15 =	simm.s32 $0x100  }
0x47: {  	[tilespmem:s26], [sflag:$0x3] =	stream.indirect.gather [hbm4b:s4+s23], $0x40, s15, s23, $0xb8;
	[tilespmem:$0x16F00] =	vst v63  }
0x48: {  	s14 =	simm.s32 $0x180  }
0x49: {  	[tilespmem:s29], [sflag:$0x4] =	stream.indirect.gather [hbm4b:s4+s23], $0x40, s14, s23, $0xb8;
	[tilespmem:$0x16F00] =	vst v63  }
0x4a: {  	[bflag:$0x0] =	sbarrier.arrive $0xFFFF  }
0x4b: {  	_ =	swait.ge [sflag:s30], $0x2000  }
0x4c: {  	[sflag:s30] =	ssyncset.done $0x0  }
0x4d: {  	s15 =	simm.s32 $0x2780;
	[sflag:s30] =	ssyncadd.s32 $0xFFFFE000  }
0x4e: {  	[spmem:s2] =	stream.indirect.scatter.add.f32 [tilespmem:s20], [sflag:$0x5], $0x40, s15, s23, $0xb8;
	[tilespmem:$0x16F00] =	vst v63  }
0x4f: {  	_ =	swait.ge [sflag:s31], $0x2000  }
0x50: {  	[sflag:s31] =	ssyncset.done $0x0  }
0x51: {  	s14 =	simm.s32 $0x2800;
	[sflag:s31] =	ssyncadd.s32 $0xFFFFE000  }
0x52: {  	[spmem:s2] =	stream.indirect.scatter.add.f32 [tilespmem:s24], [sflag:$0x6], $0x40, s14, s23, $0xb8;
	[tilespmem:$0x16F00] =	vst v63  }
0x53: {  	_ =	swait.ge [sflag:s1], $0x2000  }
0x54: {  	[sflag:s1] =	ssyncset.done $0x0  }
0x55: {  	s15 =	simm.s32 $0x2880;
	[sflag:s1] =	ssyncadd.s32 $0xFFFFE000  }
0x56: {  	[spmem:s2] =	stream.indirect.scatter.add.f32 [tilespmem:s26], [sflag:$0x7], $0x40, s15, s23, $0xb8;
	[tilespmem:$0x16F00] =	vst v63  }
0x57: {  	_ =	swait.ge [sflag:s0], $0x2000  }
0x58: {  	[sflag:s0] =	ssyncset.done $0x0  }
0x59: {  	s14 =	simm.s32 $0x2900;
	[sflag:s0] =	ssyncadd.s32 $0xFFFFE000  }
0x5a: {  	[spmem:s2] =	stream.indirect.scatter.add.f32 [tilespmem:s29], [sflag:$0x8], $0x40, s14, s23, $0xb8;
	[tilespmem:$0x16F00] =	vst v63  }
0x5b: {  	_ =	swait.ge [sflag:s19], $0x2000  }
0x5c: {  	[sflag:s19] =	ssyncset.done $0x0  }
0x5d: {  	s15 =	simm.s32 $0x200;
	[sflag:s19] =	ssyncadd.s32 $0xFFFFE000  }
0x5e: {  	[tilespmem:s20], [sflag:$0x1] =	stream.indirect.gather [hbm4b:s4+s23], $0x40, s15, s23, $0xb8;
	[tilespmem:$0x16F00] =	vst v63  }
0x5f: {  	_ =	swait.ge [sflag:s25], $0x2000  }
0x60: {  	[sflag:s25] =	ssyncset.done $0x0  }
0x61: {  	s14 =	simm.s32 $0x280;
	[sflag:s25] =	ssyncadd.s32 $0xFFFFE000  }
0x62: {  	[tilespmem:s24], [sflag:$0x2] =	stream.indirect.gather [hbm4b:s4+s23], $0x40, s14, s23, $0xb8;
	[tilespmem:$0x16F00] =	vst v63  }
0x63: {  	_ =	swait.ge [sflag:s28], $0x2000  }
0x64: {  	[sflag:s28] =	ssyncset.done $0x0  }
0x65: {  	s15 =	simm.s32 $0x300;
	[sflag:s28] =	ssyncadd.s32 $0xFFFFE000  }
0x66: {  	[tilespmem:s26], [sflag:$0x3] =	stream.indirect.gather [hbm4b:s4+s23], $0x40, s15, s23, $0xb8;
	[tilespmem:$0x16F00] =	vst v63  }
0x67: {  	_ =	swait.ge [sflag:s5], $0x2000  }
0x68: {  	[sflag:s5] =	ssyncset.done $0x0  }
0x69: {  	s13 =	simm.s32 $0x800;
	s14 =	simm.s32 $0x380;
	[sflag:s5] =	ssyncadd.s32 $0xFFFFE000  }
.LBB2_4:
0x6a: {  	[tilespmem:s29], [sflag:$0x4] =	stream.indirect.gather [hbm4b:s4+s23], $0x40, s14, s23, $0xb8;
	[tilespmem:$0x16F00] =	vst v63  }
0x6b: {  	s14 =	smov.u32 s13  }
0x6c: {  	p1 =	sne.s32 s13, $0x8800;
	s13 =	sadd.s32 $0x800, s13;
	_ =	swait.ge [sflag:s30], $0x2000  }
0x6d: {  	s14 =	sshra.s32 s14, $0x2;
	[sflag:s30] =	ssyncset.done $0x0  }
0x6e: {  	s15 =	sadd.s32 $0x2780, s14;
	[sflag:s30] =	ssyncadd.s32 $0xFFFFE000  }
0x6f: {  	[spmem:s2] =	stream.indirect.scatter.add.f32 [tilespmem:s20], [sflag:$0x5], $0x40, s15, s23, $0xb8;
	[tilespmem:$0x16F00] =	vst v63  }
0x70: {  	_ =	swait.ge [sflag:s31], $0x2000  }
0x71: {  	[sflag:s31] =	ssyncset.done $0x0  }
0x72: {  	s15 =	sadd.s32 $0x2800, s14;
	[sflag:s31] =	ssyncadd.s32 $0xFFFFE000  }
0x73: {  	[spmem:s2] =	stream.indirect.scatter.add.f32 [tilespmem:s24], [sflag:$0x6], $0x40, s15, s23, $0xb8;
	[tilespmem:$0x16F00] =	vst v63  }
0x74: {  	_ =	swait.ge [sflag:s1], $0x2000  }
0x75: {  	[sflag:s1] =	ssyncset.done $0x0  }
0x76: {  	s15 =	sadd.s32 $0x2880, s14;
	[sflag:s1] =	ssyncadd.s32 $0xFFFFE000  }
0x77: {  	[spmem:s2] =	stream.indirect.scatter.add.f32 [tilespmem:s26], [sflag:$0x7], $0x40, s15, s23, $0xb8;
	[tilespmem:$0x16F00] =	vst v63  }
0x78: {  	_ =	swait.ge [sflag:s0], $0x2000  }
0x79: {  	[sflag:s0] =	ssyncset.done $0x0  }
0x7a: {  	s15 =	sadd.s32 $0x2900, s14;
	[sflag:s0] =	ssyncadd.s32 $0xFFFFE000  }
0x7b: {  	[spmem:s2] =	stream.indirect.scatter.add.f32 [tilespmem:s29], [sflag:$0x8], $0x40, s15, s23, $0xb8;
	[tilespmem:$0x16F00] =	vst v63  }
0x7c: {  	_ =	swait.ge [sflag:s19], $0x2000  }
0x7d: {  	[sflag:s19] =	ssyncset.done $0x0  }
0x7e: {  	s15 =	sadd.s32 $0x200, s14;
	[sflag:s19] =	ssyncadd.s32 $0xFFFFE000  }
0x7f: {  	[tilespmem:s20], [sflag:$0x1] =	stream.indirect.gather [hbm4b:s4+s23], $0x40, s15, s23, $0xb8;
	[tilespmem:$0x16F00] =	vst v63  }
0x80: {  	_ =	swait.ge [sflag:s25], $0x2000  }
0x81: {  	[sflag:s25] =	ssyncset.done $0x0  }
0x82: {  	s15 =	sadd.s32 $0x280, s14;
	[sflag:s25] =	ssyncadd.s32 $0xFFFFE000  }
0x83: {  	[tilespmem:s24], [sflag:$0x2] =	stream.indirect.gather [hbm4b:s4+s23], $0x40, s15, s23, $0xb8;
	[tilespmem:$0x16F00] =	vst v63  }
0x84: {  	_ =	swait.ge [sflag:s28], $0x2000  }
0x85: {  	[sflag:s28] =	ssyncset.done $0x0  }
.Ltmp1:
0x86: {  	s15 =	sadd.s32 $0x300, s14;
	[sflag:s28] =	ssyncadd.s32 $0xFFFFE000;
	(pc) =	sbr.rel @p1 .LBB2_4-.Ltmp1, $4  }
0x87: {  	[tilespmem:s26], [sflag:$0x3] =	stream.indirect.gather [hbm4b:s4+s23], $0x40, s15, s23, $0xb8;
	[tilespmem:$0x16F00] =	vst v63  }
0x88: {  	_ =	swait.ge [sflag:s5], $0x2000  }
0x89: {  	[sflag:s5] =	ssyncset.done $0x0  }
0x8a: {  	s14 =	sadd.s32 $0x380, s14;
	[sflag:s5] =	ssyncadd.s32 $0xFFFFE000  }
0x8b: {  	[tilespmem:s29], [sflag:$0x4] =	stream.indirect.gather [hbm4b:s4+s23], $0x40, s14, s23, $0xb8;
	[tilespmem:$0x16F00] =	vst v63  }
0x8c: {  	_ =	swait.ge [sflag:s30], $0x2000  }
0x8d: {  	[sflag:s30] =	ssyncset.done $0x0  }
0x8e: {  	s13 =	simm.s32 $0x4B80;
	[sflag:s30] =	ssyncadd.s32 $0xFFFFE000  }
0x8f: {  	[spmem:s2] =	stream.indirect.scatter.add.f32 [tilespmem:s20], [sflag:$0x5], $0x40, s13, s23, $0xb8;
	[tilespmem:$0x16F00] =	vst v63  }
0x90: {  	_ =	swait.ge [sflag:s31], $0x2000  }
0x91: {  	[sflag:s31] =	ssyncset.done $0x0  }
0x92: {  	s14 =	simm.s32 $0x4C00;
	[sflag:s31] =	ssyncadd.s32 $0xFFFFE000  }
0x93: {  	[spmem:s2] =	stream.indirect.scatter.add.f32 [tilespmem:s24], [sflag:$0x6], $0x40, s14, s23, $0xb8;
	[tilespmem:$0x16F00] =	vst v63  }
0x94: {  	_ =	swait.ge [sflag:s1], $0x2000  }
0x95: {  	[sflag:s1] =	ssyncset.done $0x0  }
0x96: {  	s15 =	simm.s32 $0x4C80;
	[sflag:s1] =	ssyncadd.s32 $0xFFFFE000  }
0x97: {  	[spmem:s2] =	stream.indirect.scatter.add.f32 [tilespmem:s26], [sflag:$0x7], $0x40, s15, s23, $0xb8;
	[tilespmem:$0x16F00] =	vst v63  }
0x98: {  	_ =	swait.ge [sflag:s0], $0x2000  }
0x99: {  	[sflag:s0] =	ssyncset.done $0x0  }
0x9a: {  	s14 =	simm.s32 $0x4D00;
	[sflag:s0] =	ssyncadd.s32 $0xFFFFE000  }
0x9b: {  	[spmem:s2] =	stream.indirect.scatter.add.f32 [tilespmem:s29], [sflag:$0x8], $0x40, s14, s23, $0xb8;
	[tilespmem:$0x16F00] =	vst v63  }
0x9c: {  	_ =	swait.ge [sflag:s19], $0x2000  }
0x9d: {  	[sflag:s19] =	ssyncset.done $0x0  }
0x9e: {  	s15 =	simm.s32 $0x2600;
	[sflag:s19] =	ssyncadd.s32 $0xFFFFE000  }
0x9f: {  	[tilespmem:s20], [sflag:$0x1] =	stream.indirect.gather [hbm4b:s4+s23], $0x40, s15, s23, $0xb8;
	[tilespmem:$0x16F00] =	vst v63  }
0xa0: {  	_ =	swait.ge [sflag:s25], $0x2000  }
0xa1: {  	[sflag:s25] =	ssyncset.done $0x0  }
0xa2: {  	s14 =	simm.s32 $0x2680;
	[sflag:s25] =	ssyncadd.s32 $0xFFFFE000  }
0xa3: {  	[tilespmem:s24], [sflag:$0x2] =	stream.indirect.gather [hbm4b:s4+s23], $0x40, s14, s23, $0xb8;
	[tilespmem:$0x16F00] =	vst v63  }
0xa4: {  	_ =	swait.ge [sflag:s28], $0x2000  }
0xa5: {  	[sflag:s28] =	ssyncset.done $0x0  }
0xa6: {  	[sflag:s28] =	ssyncadd.s32 $0xFFFFE000  }
0xa7: {  	[tilespmem:s26], [sflag:$0x3] =	stream.indirect.gather [hbm4b:s4+s23], $0x40, s12, s23, $0xb8;
	[tilespmem:$0x16F00] =	vst v63  }
0xa8: {  	_ =	swait.ge [sflag:s5], $0x2000  }
0xa9: {  	[sflag:s5] =	ssyncset.done $0x0  }
0xaa: {  	[sflag:s5] =	ssyncadd.s32 $0xFFFFE000  }
0xab: {  	[tilespmem:s29], [sflag:$0x4] =	stream.indirect.gather [hbm4b:s4+s23], $0x40, s12, s23, $0xb8;
	[tilespmem:$0x16F00] =	vst v63  }
0xac: {  	_ =	swait.ge [sflag:s30], $0x2000  }
0xad: {  	[sflag:s30] =	ssyncset.done $0x0  }
0xae: {  	s15 =	simm.s32 $0x4D80;
	[sflag:s30] =	ssyncadd.s32 $0xFFFFE000  }
0xaf: {  	[spmem:s2] =	stream.indirect.scatter.add.f32 [tilespmem:s20], [sflag:$0xA], $0x40, s15, s23, $0xb8;
	[tilespmem:$0x16F00] =	vst v63  }
0xb0: {  	_ =	swait.ge [sflag:s21], $0x2000  }
0xb1: {  	[sflag:s21] =	ssyncset.done $0x0  }
0xb2: {  	[sflag:s21] =	ssyncadd.s32 $0xFFFFE000  }
0xb3: {  	_ =	swait.ge [sflag:s31], $0x2000  }
0xb4: {  	[sflag:s31] =	ssyncset.done $0x0  }
0xb5: {  	s14 =	simm.s32 $0x4E00;
	[sflag:s31] =	ssyncadd.s32 $0xFFFFE000  }
0xb6: {  	[spmem:s2] =	stream.indirect.scatter.add.f32 [tilespmem:s24], [sflag:$0xA], $0x40, s14, s23, $0xb8;
	[tilespmem:$0x16F00] =	vst v63  }
0xb7: {  	_ =	swait.ge [sflag:s21], $0x2000  }
0xb8: {  	[sflag:s21] =	ssyncset.done $0x0  }
0xb9: {  	[sflag:s21] =	ssyncadd.s32 $0xFFFFE000  }
0xba: {  	_ =	swait.ge [sflag:s1], $0x2000  }
0xbb: {  	s13 =	simm.s32 @!p0 $0x80;
	[sflag:s1] =	ssyncset.done $0x0  }
0xbc: {  	s15 =	simm.s32 @!p0 $0x8F00;
	s14 =	simm.s32 @!p0 $0x4E80;
	[sflag:s1] =	ssyncadd.s32 $0xFFFFE000  }
0xbd: {  	[spmem:s2] =	stream.indirect.scatter.add.f32 @!p0 [tilespmem:s15], [sflag:$0xA], $0x40, s14, s13, $0xb8;
	[tilespmem:$0x16F00] =	vst v63  }
0xbe: {  	s13 =	simm.s32 @!p0 $0xA  }
0xbf: {  	_ =	swait.ge @!p0 [sflag:s13], $0x2000  }
0xc0: {  	[sflag:s13] =	ssyncset.done @!p0 $0x0  }
0xc1: {  	[sflag:s13] =	ssyncadd.s32 @!p0 $0xFFFFE000  }
0xc2: {  	_ =	swait.ge [sflag:s0], $0x2000  }
0xc3: {  	[sflag:s0] =	ssyncset.done $0x0  }
0xc4: {  	[sflag:s0] =	ssyncadd.s32 $0xFFFFE000  }
0xc5: {  	[bflag:$0x0] =	sbarrier.arrive $0xFFFF  }
0xc6: {  	[tilespmem:s20], [sflag:$0xA] =	stream.linear.gather [spmem:s7], $0x2000, $0x38;
	[tilespmem:$0x16F00] =	vst v63  }
0xc7: {  	_ =	swait.ge [sflag:s21], $0x2000  }
0xc8: {  	[sflag:s21] =	ssyncset.done $0x0  }
0xc9: {  	s15 =	rddreg [dreg:$0x6];
	[sflag:s21] =	ssyncadd.s32 $0xFFFFE000  }
0xca: {  	[hbm4b:s15+s3] =	stream.linear.scatter [tilespmem:s20], [sflag:$0xA], $0x2000, $0x38;
	[tilespmem:$0x16F00] =	vst v63  }
0xcb: {  	_ =	swait.ge [sflag:s21], $0x2000  }
0xcc: {  	[sflag:s21] =	ssyncset.done $0x0  }
0xcd: {  	[sflag:s21] =	ssyncadd.s32 $0xFFFFE000  }
0xce: {  	[tilespmem:s20], [sflag:$0xA] =	stream.linear.gather [spmem:s8], $0x2000, $0x38;
	[tilespmem:$0x16F00] =	vst v63  }
0xcf: {  	_ =	swait.ge [sflag:s21], $0x2000  }
0xd0: {  	[sflag:s21] =	ssyncset.done $0x0  }
0xd1: {  	s14 =	rddreg [dreg:$0x7];
	[sflag:s21] =	ssyncadd.s32 $0xFFFFE000  }
0xd2: {  	[hbm4b:s14+s3] =	stream.linear.scatter [tilespmem:s20], [sflag:$0xA], $0x2000, $0x38;
	[tilespmem:$0x16F00] =	vst v63  }
0xd3: {  	_ =	swait.ge [sflag:s21], $0x2000  }
0xd4: {  	[sflag:s21] =	ssyncset.done $0x0  }
0xd5: {  	[sflag:s21] =	ssyncadd.s32 $0xFFFFE000  }
0xd6: {  	[tilespmem:s20], [sflag:$0xA] =	stream.linear.gather [spmem:s9], $0x2000, $0x38;
	[tilespmem:$0x16F00] =	vst v63  }
0xd7: {  	_ =	swait.ge [sflag:s21], $0x2000  }
0xd8: {  	[sflag:s21] =	ssyncset.done $0x0  }
0xd9: {  	s15 =	rddreg [dreg:$0x8];
	[sflag:s21] =	ssyncadd.s32 $0xFFFFE000  }
0xda: {  	[hbm4b:s15+s3] =	stream.linear.scatter [tilespmem:s20], [sflag:$0xA], $0x2000, $0x38;
	[tilespmem:$0x16F00] =	vst v63  }
0xdb: {  	_ =	swait.ge [sflag:s21], $0x2000  }
0xdc: {  	[sflag:s21] =	ssyncset.done $0x0  }
0xdd: {  	[sflag:s21] =	ssyncadd.s32 $0xFFFFE000  }
0xde: {  	[tilespmem:s20], [sflag:$0xA] =	stream.linear.gather [spmem:s10], $0x2000, $0x38;
	[tilespmem:$0x16F00] =	vst v63  }
0xdf: {  	_ =	swait.ge [sflag:s21], $0x2000  }
0xe0: {  	[sflag:s21] =	ssyncset.done $0x0  }
0xe1: {  	[sflag:s21] =	ssyncadd.s32 $0xFFFFE000  }
0xe2: {  	[hbm4b:s16+s3] =	stream.linear.scatter [tilespmem:s20], [sflag:$0xA], $0x2000, $0x38;
	[tilespmem:$0x16F00] =	vst v63  }
0xe3: {  	_ =	swait.ge [sflag:s21], $0x2000  }
0xe4: {  	[sflag:s21] =	ssyncset.done $0x0  }
0xe5: {  	[sflag:s21] =	ssyncadd.s32 $0xFFFFE000  }
0xe6: {  	[tilespmem:s20], [sflag:$0xA] =	stream.linear.gather [spmem:s11], $0x2000, $0x38;
	[tilespmem:$0x16F00] =	vst v63  }
0xe7: {  	s6 =	sadd.s32 $0x1, s6;
	_ =	swait.ge [sflag:s21], $0x2000  }
0xe8: {  	p1 =	sne.s32 s6, s18;
	[sflag:s21] =	ssyncset.done $0x0  }
.Ltmp2:
0xe9: {  	[sflag:s21] =	ssyncadd.s32 $0xFFFFE000;
	(pc) =	sbr.rel @p1 .LBB2_1-.Ltmp2, $4  }
0xea: {  	[hbm4b:s17+s3] =	stream.linear.scatter [tilespmem:s20], [sflag:$0xA], $0x2000, $0x38;
	[tilespmem:$0x16F00] =	vst v63  }
0xeb: {  	_ =	swait.ge [sflag:s21], $0x2000  }
0xec: {  	[sflag:s21] =	ssyncset.done $0x0  }
0xed: {  	[sflag:s21] =	ssyncadd.s32 $0xFFFFE000  }
0xee: {  	_ =	sfence.sel $0x180000  }
0xef: {  	[bflag:$0x0] =	sbarrier.arrive $0xFFFF  }
0xf0: {  	_ =	strace $0x9000004A  }
0xf1: {  	s0 =	stileid.u32;
	[bflag:$0x2] =	sbarrier.arrive $0xFFFF  }
0xf2: {  	p0 =	sne.s32 s0, $0x0;
	s0 =	rddreg [dreg:$0x3]  }
0xf3: {  	s0 =	sadd.s32 @!p0 $0x100000, s0  }
0xf4: {  	[sflag:s0] =	ssyncadd.tile.s32 @!p0 $0x1;
	_ =	shalt  }
.Lfunc_end2:
_tile_overlayer_lowered:
.L_overlay_start_2:
0xf5: {  	(tag) =	ssettag $0x2  }
0xf6: {  	s0 =	rddreg [dreg:$0x0];
	s2 =	stileid.u32  }
0xf7: {  	s1 =	rddreg [dreg:$0x1];
	p0 =	sne.s32 s2, $0x0  }
0xf8: {  	s3 =	rddreg [dreg:$0x2];
	[bflag:$0x3] =	sbarrier.arrive $0xFFFF;
	s2 =	simm.s32 @!p0 $0x1C0A  }
0xf9: {  	[timem:s3], [sflag:s2] =	dma.local @!p0 [hbm:s0], s1  }
0xfa: {  	s0 =	simm.s32 @!p0 $0xA  }
0xfb: {  	_ =	swait.ge @!p0 [sflag:s0], s1  }
0xfc: {  	s1 =	ssub.s32 @!p0 $0x0, s1;
	[sflag:s0] =	ssyncset.done @!p0 $0x0  }
0xfd: {  	[sflag:s0] =	ssyncadd.s32 @!p0 s1  }
0xfe: {  	[bflag:$0x3] =	sbarrier.arrive $0xFFFF  }
0xff: {  	_ =	shalt  }

// kernel: kernel.7.cloned.1.call-start
scs
__scs_entry_jumppad:
0x0: {  	(pc) =	sbr.rel $0x88, $3  }
0x1: {  	(tag) =	ssettag $0x0;
	lr =	simm.s32 $0x1  }
0x2: {  	[smem:$0x3F9D] =	sst lr;
	_ =	strace $0xD0000000  }
0x3: {  	_ = 	snop  }
0x4: {  	_ = 	snop  }
0x5: {  	_ = 	snop  }
0x6: {  	_ = 	snop  }
0x7: {  	_ = 	snop  }
__scs_overlays_trampoline_lowered:
0x8: {  	[smem:$0x3FAC] =	sst s0  }
0x9: {  	[smem:$0x3FAD] =	sst s1  }
0xa: {  	[smem:$0x3FAE] =	sst s2  }
0xb: {  	[smem:$0x3FAF] =	sst s3  }
0xc: {  	[smem:$0x3FB0] =	sst s4  }
0xd: {  	[smem:$0x3FB1] =	sst s5  }
0xe: {  	[smem:$0x3FB2] =	sst s6  }
0xf: {  	[smem:$0x3FB3] =	sst s7  }
0x10: {  	[smem:$0x3FB4] =	sst s8  }
0x11: {  	[smem:$0x3FB5] =	sst s9;
	s0 =	simm.s32 @!p0 $0x0  }
0x12: {  	s1 =	sld [smem:$0x3F9B];
	s0 =	simm.s32 @p0 $0x1  }
0x13: {  	[smem:$0x3FB6] =	sst s0;
	s0 =	simm.s32 @!p1 $0x0  }
0x14: {  	s2 =	sld [smem:$0x3F9A];
	s0 =	simm.s32 @p1 $0x1  }
0x15: {  	[smem:$0x3FB7] =	sst s0;
	s0 =	simm.s32 @!p2 $0x0  }
0x16: {  	s3 =	sld [smem:$0x3FDB];
	s0 =	simm.s32 @p2 $0x1  }
0x17: {  	s4 =	simm.s32 $0x1BF5;
	[smem:$0x3FB9] =	sst s0  }
0x18: {  	s0 =	sld [smem:$0x3F9C];
	_ =	swait.ge [sflag:s4], $0x0  }
0x19: {  	s7 =	sld [smem:$0x3F9D]  }
0x1a: {  	s8 =	sadd.s32 $0xFFFFE003, lr  }
0x1b: {  	s9 =	sadd.s32 $0xFFFFFEF7, lr;
	s5 =	simm.s32 $0xFFFFFFFF;
	p2 =	slt.u32 s8, $0xFFFFF086  }
0x1c: {  	p1 =	slt.u32 s9, $0xF7A;
	s5 =	simm.s32 @!p2 $0x0  }
0x1d: {  	s5 =	simm.s32 @p1 $0x1;
	p0 =	seq.s32 s7, s2  }
0x1e: {  	s7 =	smul.u32 @!p0 $0xF7A, s2;
	p2 =	seq.s32 @!p0 s5, $0x0  }
0x1f: {  	s9 =	smul.u32 $0xF7A, s1;
	s8 =	simm.s32 @!p0 $0x1BF5;
	p2 =	por !p2, p0  }
0x20: {  	[sflag:s8] =	ssyncset.s32 @!p0 $0xFFFFF086;
	s6 =	sadd.s32 @!p0 s3, s7;
	s7 =	simm.s32 @!p0 $0x108  }
0x21: {  	s3 =	sadd.s32 s3, s9;
	s6 =	sadd.s32 @!p0 $0x88, s6;
	s7 =	simm.s32 @p2 $0x1082  }
0x22: {  	[simem:s7], [sflag:s8] =	dma.local @!p0 [hbm:s6], $0xF7A  }
0x23: {  	s9 =	sor.u32 $0xD0000000, s2;
	s6 =	simm.s32 $0x108;
	_ =	swait.ge @!p0 [sflag:s8], $0x0  }
0x24: {  	s3 =	sadd.s32 $0x88, s3;
	s6 =	simm.s32 @!p1 $0x1082;
	[sflag:s4] =	ssyncset.s32 $0xFFFFF086  }
0x25: {  	[simem:s6], [sflag:s4] =	dma.local [hbm:s3], $0xF7A  }
0x26: {  	[smem:$0x3F9D] =	sst s1;
	(tag) =	ssettag s2;
	_ =	strace s9  }
0x27: {  	s1 =	sld [smem:$0x3FAD]  }
0x28: {  	s2 =	sld [smem:$0x3FAE]  }
0x29: {  	s4 =	sld [smem:$0x3FB0]  }
0x2a: {  	p0 =	seq.s32 s5, $0x0;
	s5 =	sld [smem:$0x3FB1]  }
0x2b: {  	s6 =	sld [smem:$0x3FB2]  }
0x2c: {  	s7 =	sld [smem:$0x3FB3]  }
0x2d: {  	s3 =	simm.s32 $0x108;
	s8 =	sld [smem:$0x3FB4]  }
0x2e: {  	s3 =	simm.s32 @!p0 $0x1082;
	s9 =	sld [smem:$0x3FB5]  }
0x2f: {  	lr =	sadd.s32 s0, s3;
	s0 =	sld [smem:$0x3FAC]  }
0x30: {  	s3 =	sld [smem:$0x3FAF]  }
0x31: {  	[smem:$0x3FB8] =	sst s10  }
0x32: {  	s10 =	sld [smem:$0x3FB6];
	_ =	sdelay $0x3  }
0x33: {  	p0 =	seq.s32 s10, $0x1;
	s10 =	sld [smem:$0x3FB8];
	_ =	sdelay $0x3  }
0x34: {  	[smem:$0x3FB8] =	sst s10  }
0x35: {  	s10 =	sld [smem:$0x3FB7];
	_ =	sdelay $0x3  }
0x36: {  	p1 =	seq.s32 s10, $0x1;
	s10 =	sld [smem:$0x3FB8];
	_ =	sdelay $0x3  }
0x37: {  	[smem:$0x3FB8] =	sst s10  }
0x38: {  	s10 =	sld [smem:$0x3FB9]  }
0x39: {  	_ = 	snop;
	(pc) =	sbr.ind lr, $3  }
0x3a: {  	_ = 	snop  }
0x3b: {  	_ = 	snop  }
0x3c: {  	p2 =	seq.s32 s10, $0x1;
	s10 =	sld [smem:$0x3FB8]  }
0x3d: {  	_ =	shalt  }
0x3e: {  	_ =	shalt  }
0x3f: {  	_ =	shalt  }
0x40: {  	_ =	shalt  }
0x41: {  	_ =	shalt  }
0x42: {  	_ =	shalt  }
0x43: {  	_ =	shalt  }
0x44: {  	_ =	shalt  }
0x45: {  	_ =	shalt  }
0x46: {  	_ =	shalt  }
0x47: {  	_ =	shalt  }
0x48: {  	_ =	shalt  }
0x49: {  	_ =	shalt  }
0x4a: {  	_ =	shalt  }
0x4b: {  	_ =	shalt  }
0x4c: {  	_ =	shalt  }
0x4d: {  	_ =	shalt  }
0x4e: {  	_ =	shalt  }
0x4f: {  	_ =	shalt  }
0x50: {  	_ =	shalt  }
0x51: {  	_ =	shalt  }
0x52: {  	_ =	shalt  }
0x53: {  	_ =	shalt  }
0x54: {  	_ =	shalt  }
0x55: {  	_ =	shalt  }
0x56: {  	_ =	shalt  }
0x57: {  	_ =	shalt  }
0x58: {  	_ =	shalt  }
0x59: {  	_ =	shalt  }
0x5a: {  	_ =	shalt  }
0x5b: {  	_ =	shalt  }
0x5c: {  	_ =	shalt  }
0x5d: {  	_ =	shalt  }
0x5e: {  	_ =	shalt  }
0x5f: {  	_ =	shalt  }
0x60: {  	_ =	shalt  }
0x61: {  	_ =	shalt  }
0x62: {  	_ =	shalt  }
0x63: {  	_ =	shalt  }
0x64: {  	_ =	shalt  }
0x65: {  	_ =	shalt  }
0x66: {  	_ =	shalt  }
0x67: {  	_ =	shalt  }
0x68: {  	_ =	shalt  }
0x69: {  	_ =	shalt  }
0x6a: {  	_ =	shalt  }
0x6b: {  	_ =	shalt  }
0x6c: {  	_ =	shalt  }
0x6d: {  	_ =	shalt  }
0x6e: {  	_ =	shalt  }
0x6f: {  	_ =	shalt  }
0x70: {  	_ =	shalt  }
0x71: {  	_ =	shalt  }
0x72: {  	_ =	shalt  }
0x73: {  	_ =	shalt  }
0x74: {  	_ =	shalt  }
0x75: {  	_ =	shalt  }
0x76: {  	_ =	shalt  }
0x77: {  	_ =	shalt  }
0x78: {  	_ =	shalt  }
0x79: {  	_ =	shalt  }
0x7a: {  	_ =	shalt  }
0x7b: {  	_ =	shalt  }
0x7c: {  	_ =	shalt  }
0x7d: {  	_ =	shalt  }
0x7e: {  	_ =	shalt  }
0x7f: {  	_ =	shalt  }
0x80: {  	_ =	shalt  }
0x81: {  	_ =	shalt  }
0x82: {  	_ =	shalt  }
0x83: {  	_ =	shalt  }
0x84: {  	_ =	shalt  }
0x85: {  	_ =	shalt  }
0x86: {  	_ =	shalt  }
0x87: {  	_ =	shalt  }
.Lfunc_end0:
.L_simem_size_0:
called_computation_lowered:
.L_overlay_start_0:
0x88: {  	s2 =	sld [smem:$0x3FD9]  }
0x89: {  	s3 =	sld [smem:$0x3FFE];
	_ =	sdelay $0x1  }
0x8a: {  	s1 =	srdreg.scid  }
0x8b: {  	s0 =	sand.u32 $0x1, s1  }
0x8c: {  	s17 =	sshll.u32 s0, $0xA;
	s2 =	sadd.s32 s3, s2  }
0x8d: {  	s2 =	sadd.s32 s2, s17  }
0x8e: {  	[smem:$0x3FC4] =	sst s2  }
0x8f: {  	_ = 	snop  }
0x90: {  	s2 =	sld [smem:$0x3FD0];
	(tm) =	ssettm $0x1  }
0x91: {  	s18 =	sld [smem:$0x3FFB];
	_ =	sdelay $0x3  }
0x92: {  	_ =	strace s18  }
0x93: {  	s3 =	sld [smem:$0x3FFC];
	_ =	sdelay $0x3  }
0x94: {  	_ =	strace s3  }
0x95: {  	s3 =	sld [smem:$0x3FFD];
	_ =	sdelay $0x3  }
0x96: {  	_ =	strace s3  }
0x97: {  	_ =	strace $0x8FFFFFFF  }
0x98: {  	s19 =	sld [smem:$0x3FDB];
	_ =	sdelay $0x1  }
0x99: {  	s4 =	simm.s32 $_scs_section_size  }
0x9a: {  	s5 =	simm.s32 $_size__tile_overlayer_lowered;
	s6 =	simm.s32 $_tile_overlayer_lowered  }
0x9b: {  	s22 =	simm.s32 $0x1BFF;
	s21 =	sshll.u32 s6, $0x1;
	s3 =	sadd.s32 s4, s19  }
0x9c: {  	s7 =	simm.s32 $0x0;
	s20 =	sshll.u32 s5, $0x1;
	s5 =	sadd.s32 s21, s3  }
0x9d: {  	[timem:s7], [sflag:s22] =	dma.local [hbm:s5], s20  }
0x9e: {  	_ =	swait.ge [sflag:s22], s20  }
0x9f: {  	s4 =	ssub.s32 $0x0, s20;
	[sflag:s22] =	ssyncset.done $0x0  }
0xa0: {  	[sflag:s22] =	ssyncadd.s32 s4;
	_ =	sdelay $0x1  }
0xa1: {  	s23 =	simm.s32 $0x1B8B  }
0xa2: {  	_ =	swait.ge [sflag:s23], $0x1  }
0xa3: {  	[sflag:s23] =	ssyncset.done $0x0  }
0xa4: {  	s25 =	simm.s32 $0x1B8E;
	s24 =	sld [smem:$0x3FFE];
	[sflag:s23] =	ssyncadd.s32 $0xFFFFFFFF  }
0xa5: {  	s26 =	simm.s32 $execute0_lowered;
	[smem:$0x3FD2] =	sst s25  }
0xa6: {  	s5 =	sshll.u32 s26, $0x1;
	_ =	strace $0x80000046;
	[dreg:$0x1] =	wrdreg $0xFFFFFFFF  }
0xa7: {  	s28 =	simm.s32 $_size_execute0_lowered;
	s3 =	sadd.s32 s3, s5;
	[dreg:$0x0] =	wrdreg $0x0  }
0xa8: {  	s5 =	sshll.u32 s28, $0x1;
	[dreg:$0x2] =	wrdreg s3  }
0xa9: {  	[dreg:$0x3] =	wrdreg s5  }
0xaa: {  	[dreg:$0x4] =	wrdreg $0xC0  }
0xab: {  	_ =	task [dreg:s7], $0x5FFFF  }
0xac: {  	[dreg:$0x1] =	wrdreg $0xFFFFFFFF  }
0xad: {  	[dreg:$0x0] =	wrdreg $0x60  }
0xae: {  	[dreg:$0x2] =	wrdreg s2  }
0xaf: {  	[dreg:$0x3] =	wrdreg s24  }
0xb0: {  	[dreg:$0x4] =	wrdreg $0x2A800  }
0xb1: {  	[dreg:$0x5] =	wrdreg $0x9  }
0xb2: {  	_ =	task.clear_ibuf [dreg:s7], $0x6FFFF;
	_ =	strace $0x90000046  }
0xb3: {  	s29 =	simm.s32 $0x9;
	_ =	strace $0x80000048  }
0xb4: {  	_ =	swait.ge [sflag:s29], $0x1  }
0xb5: {  	[sflag:s29] =	ssyncadd.s32 $0xFFFFFFFF  }
0xb6: {  	_ =	strace $0x90000048  }
0xb7: {  	_ =	sfence  }
0xb8: {  	s30 =	sld [smem:$0x0];
	_ =	sdelay $0x2  }
0xb9: {  	s31 =	sshll.u32 s1, $0xD;
	s1 =	sshrl.u32 s1, $0x2  }
0xba: {  	s3 =	sand.u32 $0x4000, s31;
	s1 =	sadd.s32 s1, s30  }
0xbb: {  	s0 =	sor.u32 s3, s0;
	s1 =	sshll.u32 s1, $0x11  }
0xbc: {  	s0 =	sor.u32 s1, s0  }
0xbd: {  	s0 =	sadd.s32 $0x8F2B, s0  }
0xbe: {  	[sflag:s0] =	ssyncadd.remote.s32 $0x1  }
0xbf: {  	_ =	sfence.sel $0xFFFF  }
0xc0: {  	[dreg:$0x0] =	wrdreg $0xFFFFFFFF;
	(pc) =	sbr.abs _section_cstart, $3  }
0xc1: {  	[dreg:$0x1] =	wrdreg $0xFFFFFFFF  }
0xc2: {  	_ =	task.clear_ibuf [dreg:s7], $0x2FFFF;
	_ =	strace $0x9FFFFFFF  }
0xc3: {  	(tm) =	ssettm $0x7FFFFFFF  }
tec
execute0_lowered:
.L_overlay_start_1:
0x0: {  	(tag) =	ssettag $0x1  }
0x1: {  	s5 =	rddreg [dreg:$0x0]  }
0x2: {  	s4 =	rddreg [dreg:$0x1];
	s0 =	srdreg.scid  }
0x3: {  	s2 =	rddreg [dreg:$0x2];
	s1 =	stileid.u32  }
0x4: {  	s3 =	simm.s32 $0x0;
	s12 =	simm.s32 $0x80;
	s13 =	simm.s32 $0x2780  }
0x5: {  	s14 =	simm.s32 $0x0;
	s6 =	sand.u32 $0x1, s0;
	s0 =	rddreg [dreg:$0x3]  }
0x6: {  	s7 =	smul.u32 $0x280, s1;
	[smem:$0x7FF] =	sst s3;
	s8 =	sshll.u32 s6, $0x4  }
0x7: {  	s9 =	smul.u32 $0x2800, s6;
	s6 =	ssub.s32 $0x2, s6;
	s8 =	sor.u32 s1, s8  }
0x8: {  	_ =	strace $0x80000047;
	s30 =	sshrl.u32 s6, $0x1;
	s10 =	smul.u32 $0x4E, s8  }
0x9: {  	s9 =	sadd.s32 s7, s9;
	s11 =	smax.u32 s8, $0x1C;
	p0 =	sgt.u32 s8, $0x1B  }
0xa: {  	s31 =	ssub.s32 s6, s30;
	s6 =	sadd.s32 s7, s2;
	s9 =	sshrl.u32 s9, $0x3  }
0xb: {  	s8 =	smax.u32 s31, $0x1;
	s10 =	sadd.s32 s10, s11;
	s9 =	sadd.s32 s9, s4  }
0xc: {  	s4 =	simm.s32 $0x4F;
	s11 =	simm.s32 $0x1;
	s10 =	sshll.u32 s10, $0x4  }
0xd: {  	s4 =	simm.s32 @!p0 $0x4E;
	s7 =	sadd.s32 $0x1600, s9;
	s5 =	sadd.s32 s5, s10  }
0xe: {  	v0 =	vimm.f32 $1.000000000e+00;
	v1 =	vimm.f32 $0.0e+00;
	s9 =	simm.s32 $0x2800;
	s10 =	simm.s32 $0x2;
	s5 =	sadd.s32 $0x9A80, s5  }
.LBB2_1:
0xf: {  	[tilespmem:s3], [sflag:$0x1] =	stream.linear.gather [hbm4b:s5+s3], $0x2780, $0x38;
	[tilespmem:$0x2D00] =	vst v63  }
0x10: {  	[tilespmem:$0x2780] =	vst v0  }
0x11: {  	[tilespmem:$0x2790] =	vst v0  }
0x12: {  	[tilespmem:$0x27A0] =	vst v0  }
0x13: {  	[tilespmem:$0x27B0] =	vst v0  }
0x14: {  	[tilespmem:$0x27C0] =	vst v0  }
0x15: {  	[tilespmem:$0x27D0] =	vst v0  }
0x16: {  	[tilespmem:$0x27E0] =	vst v0  }
0x17: {  	[tilespmem:$0x27F0] =	vst v0  }
0x18: {  	[tilespmem:$0x2800] =	vst v1  }
0x19: {  	[tilespmem:$0x2810] =	vst v1  }
0x1a: {  	[tilespmem:$0x2820] =	vst v1  }
0x1b: {  	[tilespmem:$0x2830] =	vst v1  }
0x1c: {  	[tilespmem:$0x2840] =	vst v1  }
0x1d: {  	[tilespmem:$0x2850] =	vst v1  }
0x1e: {  	[tilespmem:$0x2860] =	vst v1  }
0x1f: {  	[tilespmem:$0x2870] =	vst v1  }
0x20: {  	[tilespmem:$0x2880] =	vst v1  }
0x21: {  	[tilespmem:$0x2890] =	vst v1  }
0x22: {  	[tilespmem:$0x28A0] =	vst v1  }
0x23: {  	[tilespmem:$0x28B0] =	vst v1  }
0x24: {  	[tilespmem:$0x28C0] =	vst v1  }
0x25: {  	[tilespmem:$0x28D0] =	vst v1  }
0x26: {  	[tilespmem:$0x28E0] =	vst v1  }
0x27: {  	[tilespmem:$0x28F0] =	vst v1  }
0x28: {  	[tilespmem:$0x2900] =	vst v1  }
0x29: {  	[tilespmem:$0x2910] =	vst v1  }
0x2a: {  	[tilespmem:$0x2920] =	vst v1  }
0x2b: {  	[tilespmem:$0x2930] =	vst v1  }
0x2c: {  	[tilespmem:$0x2940] =	vst v1  }
0x2d: {  	[tilespmem:$0x2950] =	vst v1  }
0x2e: {  	[tilespmem:$0x2960] =	vst v1  }
0x2f: {  	[tilespmem:$0x2970] =	vst v1  }
0x30: {  	[tilespmem:$0x2980] =	vst v1  }
0x31: {  	[tilespmem:$0x2990] =	vst v1  }
0x32: {  	[tilespmem:$0x29A0] =	vst v1  }
0x33: {  	[tilespmem:$0x29B0] =	vst v1  }
0x34: {  	[tilespmem:$0x29C0] =	vst v1  }
0x35: {  	[tilespmem:$0x29D0] =	vst v1  }
0x36: {  	[tilespmem:$0x29E0] =	vst v1  }
0x37: {  	[tilespmem:$0x29F0] =	vst v1  }
0x38: {  	[tilespmem:$0x2A00] =	vst v1  }
0x39: {  	[tilespmem:$0x2A10] =	vst v1  }
0x3a: {  	[tilespmem:$0x2A20] =	vst v1  }
0x3b: {  	[tilespmem:$0x2A30] =	vst v1  }
0x3c: {  	[tilespmem:$0x2A40] =	vst v1  }
0x3d: {  	[tilespmem:$0x2A50] =	vst v1  }
0x3e: {  	[tilespmem:$0x2A60] =	vst v1  }
0x3f: {  	[tilespmem:$0x2A70] =	vst v1  }
0x40: {  	[spmem:s6] =	stream.linear.scatter [tilespmem:s9], [sflag:$0x2], $0x280, $0x38;
	[tilespmem:$0x2D00] =	vst v63  }
0x41: {  	_ =	swait.ge [sflag:s10], $0x280  }
0x42: {  	[sflag:s10] =	ssyncset.done $0x0  }
0x43: {  	[sflag:s10] =	ssyncadd.s32 $0xFFFFFD80  }
0x44: {  	_ =	swait.ge [sflag:s11], $0x2780  }
0x45: {  	p0 =	sne.s32 s4, $0x1;
	[sflag:s11] =	ssyncset.done $0x0  }
.Ltmp0:
0x46: {  	[sflag:s11] =	ssyncadd.s32 $0xFFFFD880;
	(pc) =	sbr.rel @!p0 .LBB2_3-.Ltmp0, $4  }
0x47: {  	[bflag:$0x0] =	sbarrier.arrive $0xFFFF  }
0x48: {  	[spmem:s2] =	stream.indirect.scatter.add.f32 [tilespmem:s13], [sflag:$0x2], $0x1, s3, s12, $0xb8;
	[tilespmem:$0x2D00] =	vst v63  }
0x49: {  	_ =	swait.ge [sflag:s10], $0x80  }
0x4a: {  	s15 =	sadd.s32 $0xFFFFFFFF, s4;
	s16 =	simm.s32 $0x0;
	[sflag:s10] =	ssyncset.done $0x0  }
.LBB2_2:
0x4b: {  	p0 =	sne.s32 s15, $0x1;
	[sflag:s10] =	ssyncadd.s32 $0xFFFFFF80;
	s16 =	sadd.s32 $0x80, s16  }
.Ltmp1:
0x4c: {  	s15 =	sadd.s32 $0xFFFFFFFF, s15;
	(pc) =	sbr.rel @p0 .LBB2_2-.Ltmp1, $4  }
0x4d: {  	_ = 	snop  }
0x4e: {  	[spmem:s2] =	stream.indirect.scatter.add.f32 [tilespmem:s13], [sflag:$0x2], $0x1, s16, s12, $0xb8;
	[tilespmem:$0x2D00] =	vst v63  }
0x4f: {  	_ =	swait.ge [sflag:s10], $0x80  }
0x50: {  	[sflag:s10] =	ssyncset.done $0x0  }
.LBB2_3:
0x51: {  	[sflag:s10] =	ssyncadd.s32 $0xFFFFFF80  }
0x52: {  	[bflag:$0x0] =	sbarrier.arrive $0xFFFF  }
0x53: {  	[tilespmem:s9], [sflag:$0x2] =	stream.linear.gather [spmem:s6], $0x280, $0x38;
	[tilespmem:$0x2D00] =	vst v63  }
0x54: {  	s14 =	sadd.s32 $0x1, s14;
	_ =	swait.ge [sflag:s10], $0x280  }
0x55: {  	p0 =	sne.s32 s14, s8;
	[sflag:s10] =	ssyncset.done $0x0  }
.Ltmp2:
0x56: {  	[sflag:s10] =	ssyncadd.s32 $0xFFFFFD80;
	(pc) =	sbr.rel @p0 .LBB2_1-.Ltmp2, $4  }
0x57: {  	[hbm4b:s7+s3] =	stream.linear.scatter [tilespmem:s9], [sflag:$0x2], $0x280, $0x38;
	[tilespmem:$0x2D00] =	vst v63  }
0x58: {  	_ =	swait.ge [sflag:s10], $0x280  }
0x59: {  	[sflag:s10] =	ssyncset.done $0x0  }
0x5a: {  	[sflag:s10] =	ssyncadd.s32 $0xFFFFFD80  }
0x5b: {  	_ =	sfence.sel $0x180000  }
0x5c: {  	[bflag:$0x0] =	sbarrier.arrive $0xFFFF  }
0x5d: {  	p0 =	sne.s32 s1, $0x0;
	_ =	strace $0x90000047  }
0x5e: {  	s0 =	sadd.s32 @!p0 $0x100000, s0;
	[bflag:$0x2] =	sbarrier.arrive $0xFFFF  }
0x5f: {  	[sflag:s0] =	ssyncadd.tile.s32 @!p0 $0x1;
	_ =	shalt  }
.Lfunc_end2:
_tile_overlayer_lowered:
.L_overlay_start_2:
0x60: {  	(tag) =	ssettag $0x2  }
0x61: {  	s0 =	rddreg [dreg:$0x0];
	s2 =	stileid.u32  }
0x62: {  	s1 =	rddreg [dreg:$0x1];
	p0 =	sne.s32 s2, $0x0  }
0x63: {  	s3 =	rddreg [dreg:$0x2];
	[bflag:$0x3] =	sbarrier.arrive $0xFFFF;
	s2 =	simm.s32 @!p0 $0x1C02  }
0x64: {  	[timem:s3], [sflag:s2] =	dma.local @!p0 [hbm:s0], s1  }
0x65: {  	s0 =	simm.s32 @!p0 $0x2  }
0x66: {  	_ =	swait.ge @!p0 [sflag:s0], s1  }
0x67: {  	s1 =	ssub.s32 @!p0 $0x0, s1;
	[sflag:s0] =	ssyncset.done @!p0 $0x0  }
0x68: {  	[sflag:s0] =	ssyncadd.s32 @!p0 s1  }
0x69: {  	[bflag:$0x3] =	sbarrier.arrive $0xFFFF  }
0x6a: {  	_ =	shalt  }

</sc_bundles>
